<compile_context>
chip_gen: v7x
topology: tpu7x:2x2x1
jax: 0.10.2.dev20260603
libtpu: 0.0.44.dev20260713+nightly
codegen_flags: <defaults>
</compile_context>

<pallas_src>
import functools

import jax
import jax.numpy as jnp
from jax import lax
from jax.experimental import pallas as pl
from jax.experimental.pallas import tpu as pltpu
from jax.experimental.pallas import tpu_sc as plsc
from jax._src.pallas import mpmd as _mpmd

SPAD = 256
NC, NS = 2, 16
NW = NC * NS


def _attn_call(dh, enc, ids, wa, wb, ba, wv, wgh, wgc, bg, Vp):
    B, S, H = enc.shape
    BB = 8

    def body(dh_ref, enc_ref, ids_ref, wa_ref, wb_ref, ba_ref, wv_ref,
             wgh_ref, wgc_ref, bg_ref,
             cw_ref, gate_ref, upd_ref, idsf_ref):
        pid = pl.program_id(0)
        dhb = dh_ref[...]
        encb = enc_ref[...]
        dpart = jnp.dot(dhb, wa_ref[...], preferred_element_type=jnp.float32)
        dpart = dpart + ba_ref[...]
        e = jnp.dot(encb.reshape(BB * S, H), wb_ref[...],
                    preferred_element_type=jnp.float32)
        e = jnp.tanh(e.reshape(BB, S, H) + dpart[:, None, :])
        sc = jnp.sum(e * wv_ref[...][None, :, :], axis=2)
        m = jnp.max(sc, axis=1, keepdims=True)
        ex = jnp.exp(sc - m)
        w = ex / jnp.sum(ex, axis=1, keepdims=True)
        cw_ref[...] = w
        ctx = jnp.sum(w[:, :, None] * encb, axis=1)
        g = jnp.dot(dhb, wgh_ref[...], preferred_element_type=jnp.float32)
        g = g + jnp.dot(ctx, wgc_ref[...], preferred_element_type=jnp.float32)
        g = jax.nn.sigmoid(g + bg_ref[...])
        gate_ref[...] = g
        idsb = ids_ref[...]
        ids_pad = jnp.concatenate(
            [idsb, jnp.zeros((BB, SPAD - S), jnp.int32)], axis=1)
        w_pad = jnp.concatenate(
            [w, jnp.zeros((BB, SPAD - S), jnp.float32)], axis=1)
        eq = (ids_pad[:, :, None] == ids_pad[:, None, :]).astype(jnp.float32)
        comb = jnp.sum(w_pad[:, :, None] * eq, axis=1)
        upd_ref[...] = comb * g
        row = pid * BB + lax.broadcasted_iota(jnp.int32, (BB, 1), 0)
        nvt = Vp // 128
        idsf_ref[...] = (((row >> 3) * nvt + (ids_pad >> 7)) << 10) \
            + ((row & 7) << 7) + (ids_pad & 127)

    return pl.pallas_call(
        body,
        grid=(B // BB,),
        in_specs=[
            pl.BlockSpec((BB, H), lambda i: (i, 0)),
            pl.BlockSpec((BB, S, H), lambda i: (i, 0, 0)),
            pl.BlockSpec((BB, S), lambda i: (i, 0)),
            pl.BlockSpec((H, H), lambda i: (0, 0)),
            pl.BlockSpec((H, H), lambda i: (0, 0)),
            pl.BlockSpec((1, H), lambda i: (0, 0)),
            pl.BlockSpec((1, H), lambda i: (0, 0)),
            pl.BlockSpec((H, 1), lambda i: (0, 0)),
            pl.BlockSpec((H, 1), lambda i: (0, 0)),
            pl.BlockSpec((1, 1), lambda i: (0, 0)),
        ],
        out_specs=[
            pl.BlockSpec((BB, S), lambda i: (i, 0)),
            pl.BlockSpec((BB, 1), lambda i: (i, 0)),
            pl.BlockSpec((BB, SPAD), lambda i: (i, 0)),
            pl.BlockSpec((BB, SPAD), lambda i: (i, 0)),
        ],
        out_shape=[
            jax.ShapeDtypeStruct((B, S), jnp.float32),
            jax.ShapeDtypeStruct((B, 1), jnp.float32),
            jax.ShapeDtypeStruct((B, SPAD), jnp.float32),
            jax.ShapeDtypeStruct((B, SPAD), jnp.int32),
        ],
    )(dh, enc, ids, wa, wb, ba, wv, wgh, wgc, bg)


def _scale_rowmajor(vocab_t, gate_col, Vp):
    V, B = vocab_t.shape
    RB = 1024
    nv = pl.cdiv(V, RB)

    def body(g_ref, v_ref, o_ref):
        zt = (1.0 - g_ref[...]) * jnp.transpose(v_ref[...])
        z3 = zt.reshape(B // 8, 8, RB)
        for tcl in range(RB // 128):
            o_ref[:, tcl, :, :] = z3[:, :, tcl * 128:(tcl + 1) * 128]

    return pl.pallas_call(
        body,
        grid=(nv,),
        in_specs=[
            pl.BlockSpec((B, 1), lambda i: (0, 0)),
            pl.BlockSpec((RB, B), lambda i: (i, 0)),
        ],
        out_specs=pl.BlockSpec((B // 8, RB // 128, 8, 128),
                               lambda i: (0, i, 0, 0)),
        out_shape=jax.ShapeDtypeStruct((B // 8, Vp // 128, 8, 128),
                                       jnp.float32),
    )(gate_col, vocab_t)


def _sc_rmw_call(final0_flat, idsf3, upd3):
    R = idsf3.shape[0]
    rows = R // NW
    mesh = plsc.VectorSubcoreMesh(core_axis_name="c", subcore_axis_name="s")

    def body(fin_in, idsf_ref, upd_ref, fout, idx_v, upd_v, old_v, gsem):
        del fin_in
        wid = lax.axis_index("s") * NC + lax.axis_index("c")
        base = wid * rows
        pltpu.sync_copy(idsf_ref.at[pl.ds(base, rows)], idx_v)
        pltpu.sync_copy(upd_ref.at[pl.ds(base, rows)], upd_v)

        def fire_gather(j, carry):
            pltpu.async_copy(fout.at[idx_v.at[j]], old_v.at[j], gsem)
            return carry

        lax.fori_loop(0, rows, fire_gather, 0)
        pltpu.make_async_copy(upd_ref.at[pl.ds(base, rows)], old_v, gsem).wait()

        def add_row(r, carry):
            for c in range(8):
                sl = pl.ds(c * 16, 16)
                old_v[r, sl] = old_v[r, sl] + upd_v[r, sl]
            return carry

        lax.fori_loop(0, rows, add_row, 0)

        def fire_scatter(j, carry):
            pltpu.async_copy(old_v.at[j], fout.at[idx_v.at[j]], gsem)
            return carry

        lax.fori_loop(0, rows, fire_scatter, 0)
        pltpu.make_async_copy(upd_ref.at[pl.ds(base, rows)], old_v, gsem).wait()

    run = _mpmd._mpmd_map(
        [(mesh, body)],
        out_types=jax.ShapeDtypeStruct(final0_flat.shape, jnp.float32),
        input_output_aliases={0: 0},
        scratch_types=[
            pltpu.VMEM((rows, 128), jnp.int32),
            pltpu.VMEM((rows, 128), jnp.float32),
            pltpu.VMEM((rows, 128), jnp.float32),
            pltpu.SemaphoreType.DMA,
        ],
    )
    return run(final0_flat, idsf3, upd3)


def kernel(decoder_hidden, encoder_outputs, vocab_dist, input_ids,
           W_att, b_att, W_v, W_gate, b_gate):
    B, S, H = encoder_outputs.shape
    V = vocab_dist.shape[1]
    wa = W_att[:, :H].T
    wb = W_att[:, H:].T
    ba = b_att.reshape(1, H)
    wv = W_v.reshape(1, H)
    wgh = W_gate[:, :H].T
    wgc = W_gate[:, H:].T
    bg = b_gate.reshape(1, 1)
    ids = input_ids.astype(jnp.int32)

    Vp = (V + 127) // 128 * 128
    cw, gate, upd, idsf = _attn_call(
        decoder_hidden, encoder_outputs, ids, wa, wb, ba, wv, wgh, wgc, bg,
        Vp)
    P = _scale_rowmajor(vocab_dist.T, gate, Vp)
    flat = _sc_rmw_call(P.reshape(B * Vp),
                        idsf.reshape(B * SPAD // 128, 128),
                        upd.reshape(B * SPAD // 128, 128))
    final = (flat.reshape(B // 8, Vp // 128, 8, 128)
             .transpose(0, 2, 1, 3).reshape(B, Vp))[:, :V]
    return final, cw

# --- scband reference (transcript-rebuilt; emitter-appended) ---
"""Pipeline reference for scband-copy-mechanism-3762391351479 (READ-ONLY COPY).

The authoritative reference and input builder live on the scoring server;
editing this copy changes nothing except your own understanding.
"""

import jax, jax.numpy as jnp
import numpy as np

B = 1024
S = 200
HIDDEN = 512
VOCAB = 100000


def setup_inputs(seed: int = 0) -> dict:
    key = jax.random.key(seed)
    ks = jax.random.split(key, 8)
    decoder_hidden = jax.random.normal(ks[0], (B, HIDDEN), dtype=jnp.float32)
    encoder_outputs = jax.random.normal(ks[1], (B, S, HIDDEN), dtype=jnp.float32)
    vocab_dist = jax.random.uniform(ks[2], (B, VOCAB), dtype=jnp.float32)
    input_ids = jax.random.randint(ks[3], (B, S), 0, VOCAB)
    W_att = jax.random.normal(ks[4], (HIDDEN, 2 * HIDDEN), dtype=jnp.float32) * (1.0 / np.sqrt(2 * HIDDEN))
    b_att = jnp.zeros((HIDDEN,), dtype=jnp.float32)
    W_v = jax.random.normal(ks[5], (1, HIDDEN), dtype=jnp.float32) * (1.0 / np.sqrt(HIDDEN))
    W_gate = jax.random.normal(ks[6], (1, 2 * HIDDEN), dtype=jnp.float32) * (1.0 / np.sqrt(2 * HIDDEN))
    b_gate = jnp.zeros((1,), dtype=jnp.float32)
    return {
        "decoder_hidden": decoder_hidden,
        "encoder_outputs": encoder_outputs,
        "vocab_dist": vocab_dist,
        "input_ids": input_ids,
        "W_att": W_att,
        "b_att": b_att,
        "W_v": W_v,
        "W_gate": W_gate,
        "b_gate": b_gate,
    }


def reference(decoder_hidden, encoder_outputs, vocab_dist, input_ids, W_att, b_att, W_v, W_gate, b_gate):
    Bd, Sd, H = encoder_outputs.shape
    # AttentionMechanism
    dh_rep = jnp.broadcast_to(decoder_hidden[:, None, :], (Bd, Sd, H))
    cat_in = jnp.concatenate([dh_rep, encoder_outputs], axis=2)
    energy = jnp.tanh(cat_in @ W_att.T + b_att)
    scores = jnp.squeeze(energy @ W_v.T, axis=2)
    copy_weights = jax.nn.softmax(scores, axis=1)
    context = jnp.squeeze(jnp.matmul(copy_weights[:, None, :], encoder_outputs), axis=1)
    # Copy gate
    gate_in = jnp.concatenate([decoder_hidden, context], axis=1)
    copy_gate = jax.nn.sigmoid(gate_in @ W_gate.T + b_gate)
    # scatter_add over vocab dim (dim=1)
    copy_dist = jnp.zeros((Bd, VOCAB), dtype=jnp.float32).at[jnp.arange(Bd)[:, None], input_ids].add(copy_weights)
    final_dist = (1.0 - copy_gate) * vocab_dist + copy_gate * copy_dist
    return (final_dist, copy_weights)

if __name__ == "__main__":
    import jax
    _d = setup_inputs()
    print(jax.jit(kernel)(*tuple(_d.values())))

</pallas_src>

<mosaic_0001>
#map = affine_map<(d0, d1) -> (0)>
#map1 = affine_map<(d0, d1) -> (0, 0)>
module attributes {stable_mosaic.version = 14 : i64} {
  func.func @body(%arg0: i32, %arg1: i32, %arg2: memref<102498304xf32, #tpu.memory_space<hbm>>, %arg3: memref<2048x128xi32, #tpu.memory_space<hbm>>, %arg4: memref<2048x128xf32, #tpu.memory_space<hbm>>, %arg5: memref<102498304xf32, #tpu.memory_space<hbm>>, %arg6: memref<64x128xi32, #tpu.memory_space<vmem>>, %arg7: memref<64x128xf32, #tpu.memory_space<vmem>>, %arg8: memref<64x128xf32, #tpu.memory_space<vmem>>, %arg9: memref<!tpu.dma_semaphore, #tpu.memory_space<semaphore_mem>>) attributes {dimension_semantics = [#tpu.dimension_semantics<core_parallel>, #tpu.dimension_semantics<subcore_parallel>], iteration_bounds = array<i64: 2, 16>, scalar_prefetch = 0 : i64, scratch_operands = 4 : i64, tpu.core_type = #tpu.core_type<sc_vector_subcore>, window_params = [{transform_indices = #map}, {transform_indices = #map1}, {transform_indices = #map1}, {transform_indices = #map}]} {
    %mul3A = arith.constant 2 : i32
    %mul3A_0 = arith.muli %arg1, %mul3A : i32
    %add3A = arith.addi %mul3A_0, %arg0 : i32
    %mul3A_1 = arith.constant 64 : i32
    %mul3A_2 = arith.muli %add3A, %mul3A_1 : i32
    "tpu.region"() ({
      %run_scoped3A = tpu.sem_alloc : memref<!tpu.dma_semaphore, #tpu.memory_space<semaphore_mem>>
      %dma_start3A = arith.constant 0 : i32
      %dma_start3A_27 = tpu.memref_slice %arg3[%mul3A_2, %dma_start3A] : memref<2048x128xi32, #tpu.memory_space<hbm>> -> memref<64x128xi32, #tpu.memory_space<hbm>>
      %dma_start3A_28 = arith.constant 0 : i32
      %dma_start3A_29 = tpu.memref_slice %arg3[%mul3A_2, %dma_start3A_28] : memref<2048x128xi32, #tpu.memory_space<hbm>> -> memref<64x128xi32, #tpu.memory_space<hbm>>
      tpu.enqueue_dma source(%dma_start3A_29 : memref<64x128xi32, #tpu.memory_space<hbm>>) target(%arg6 : memref<64x128xi32, #tpu.memory_space<vmem>>) target_semaphore(%run_scoped3A : memref<!tpu.dma_semaphore, #tpu.memory_space<semaphore_mem>>)
      %dma_wait3A_30 = arith.constant 0 : i32
      %dma_wait3A_31 = tpu.memref_slice %arg3[%mul3A_2, %dma_wait3A_30] : memref<2048x128xi32, #tpu.memory_space<hbm>> -> memref<64x128xi32, #tpu.memory_space<hbm>>
      %dma_wait3A_32 = arith.constant 0 : i32
      %dma_wait3A_33 = tpu.memref_slice %arg3[%mul3A_2, %dma_wait3A_32] : memref<2048x128xi32, #tpu.memory_space<hbm>> -> memref<64x128xi32, #tpu.memory_space<hbm>>
      tpu.wait_dma2 semaphore(%run_scoped3A : memref<!tpu.dma_semaphore, #tpu.memory_space<semaphore_mem>>) src(%dma_wait3A_33 : memref<64x128xi32, #tpu.memory_space<hbm>>) dst(%arg6 : memref<64x128xi32, #tpu.memory_space<vmem>>)
      tpu.yield
    }) : () -> ()
    "tpu.region"() ({
      %run_scoped3A = tpu.sem_alloc : memref<!tpu.dma_semaphore, #tpu.memory_space<semaphore_mem>>
      %dma_start3A = arith.constant 0 : i32
      %dma_start3A_27 = tpu.memref_slice %arg4[%mul3A_2, %dma_start3A] : memref<2048x128xf32, #tpu.memory_space<hbm>> -> memref<64x128xf32, #tpu.memory_space<hbm>>
      %dma_start3A_28 = arith.constant 0 : i32
      %dma_start3A_29 = tpu.memref_slice %arg4[%mul3A_2, %dma_start3A_28] : memref<2048x128xf32, #tpu.memory_space<hbm>> -> memref<64x128xf32, #tpu.memory_space<hbm>>
      tpu.enqueue_dma source(%dma_start3A_29 : memref<64x128xf32, #tpu.memory_space<hbm>>) target(%arg7 : memref<64x128xf32, #tpu.memory_space<vmem>>) target_semaphore(%run_scoped3A : memref<!tpu.dma_semaphore, #tpu.memory_space<semaphore_mem>>)
      %dma_wait3A_30 = arith.constant 0 : i32
      %dma_wait3A_31 = tpu.memref_slice %arg4[%mul3A_2, %dma_wait3A_30] : memref<2048x128xf32, #tpu.memory_space<hbm>> -> memref<64x128xf32, #tpu.memory_space<hbm>>
      %dma_wait3A_32 = arith.constant 0 : i32
      %dma_wait3A_33 = tpu.memref_slice %arg4[%mul3A_2, %dma_wait3A_32] : memref<2048x128xf32, #tpu.memory_space<hbm>> -> memref<64x128xf32, #tpu.memory_space<hbm>>
      tpu.wait_dma2 semaphore(%run_scoped3A : memref<!tpu.dma_semaphore, #tpu.memory_space<semaphore_mem>>) src(%dma_wait3A_33 : memref<64x128xf32, #tpu.memory_space<hbm>>) dst(%arg7 : memref<64x128xf32, #tpu.memory_space<vmem>>)
      tpu.yield
    }) : () -> ()
    %scan3A = arith.constant 0 : i32
    %scan3A_3 = arith.constant 0 : i32
    %scan3A_4 = arith.constant 64 : i32
    %scan3A_5 = arith.addi %scan3A_3, %scan3A_4 : i32
    %scan3A_6 = arith.constant 1 : i32
    scf.for %scan3A_27 = %scan3A_3 to %scan3A_5 step %scan3A_6  : i32 {
      %dma_start3A = arith.constant 0 : i32
      %dma_start3A_28 = tpu.memref_slice %arg8[%scan3A_27, %dma_start3A] : memref<64x128xf32, #tpu.memory_space<vmem>> -> memref<1x128xf32, #tpu.memory_space<vmem>>
      %dma_start3A_29 = tpu.memref_squeeze %dma_start3A_28 : memref<1x128xf32, #tpu.memory_space<vmem>> -> memref<128xf32, #tpu.memory_space<vmem>>
      %dma_start3A_30 = arith.constant 0 : i32
      %dma_start3A_31 = tpu.memref_slice %arg6[%scan3A_27, %dma_start3A_30] : memref<64x128xi32, #tpu.memory_space<vmem>> -> memref<1x128xi32, #tpu.memory_space<vmem>>
      %dma_start3A_32 = tpu.memref_squeeze %dma_start3A_31 : memref<1x128xi32, #tpu.memory_space<vmem>> -> memref<128xi32, #tpu.memory_space<vmem>>
      %dma_start3A_33 = arith.constant 0 : i32
      %dma_start3A_34 = tpu.memref_slice %arg5[%dma_start3A_33] : memref<102498304xf32, #tpu.memory_space<hbm>> -> memref<102498304xf32, #tpu.memory_space<hbm>>
      tpu.enqueue_indirect_dma source(%dma_start3A_34 : memref<102498304xf32, #tpu.memory_space<hbm>>) target(%dma_start3A_29 : memref<128xf32, #tpu.memory_space<vmem>>) offsets(%dma_start3A_32 : memref<128xi32, #tpu.memory_space<vmem>>) semaphore(%arg9 : memref<!tpu.dma_semaphore, #tpu.memory_space<semaphore_mem>>)
    }
    %scan3A_7 = arith.constant 64 : i32
    %dma_wait3A = arith.constant 0 : i32
    %dma_wait3A_8 = tpu.memref_slice %arg4[%mul3A_2, %dma_wait3A] : memref<2048x128xf32, #tpu.memory_space<hbm>> -> memref<64x128xf32, #tpu.memory_space<hbm>>
    %dma_wait3A_9 = arith.constant 0 : i32
    %dma_wait3A_10 = tpu.memref_slice %arg4[%mul3A_2, %dma_wait3A_9] : memref<2048x128xf32, #tpu.memory_space<hbm>> -> memref<64x128xf32, #tpu.memory_space<hbm>>
    tpu.wait_dma2 semaphore(%arg9 : memref<!tpu.dma_semaphore, #tpu.memory_space<semaphore_mem>>) src(%dma_wait3A_10 : memref<64x128xf32, #tpu.memory_space<hbm>>) dst(%arg8 : memref<64x128xf32, #tpu.memory_space<vmem>>)
    %scan3A_11 = arith.constant 0 : i32
    %scan3A_12 = arith.constant 0 : i32
    %scan3A_13 = arith.constant 64 : i32
    %scan3A_14 = arith.addi %scan3A_12, %scan3A_13 : i32
    %scan3A_15 = arith.constant 1 : i32
    scf.for %scan3A_27 = %scan3A_12 to %scan3A_14 step %scan3A_15  : i32 {
      %get3A = arith.index_cast %scan3A_27 : i32 to index
      %get3A_28 = arith.constant 0 : index
      %get3A_29 = tpu.vector_load %arg8[%get3A, %get3A_28] {strides = array<i32>} : memref<64x128xf32, #tpu.memory_space<vmem>>, vector<1x16xf32>,
      %get3A_30 = vector.shape_cast %get3A_29 : vector<1x16xf32> to vector<16xf32>
      %get3A_31 = arith.index_cast %scan3A_27 : i32 to index
      %get3A_32 = arith.constant 0 : index
      %get3A_33 = tpu.vector_load %arg7[%get3A_31, %get3A_32] {strides = array<i32>} : memref<64x128xf32, #tpu.memory_space<vmem>>, vector<1x16xf32>,
      %get3A_34 = vector.shape_cast %get3A_33 : vector<1x16xf32> to vector<16xf32>
      %add3A_35 = arith.addf %get3A_30, %get3A_34 : vector<16xf32>
      %swap3A = arith.index_cast %scan3A_27 : i32 to index
      %swap3A_36 = arith.constant 0 : index
      %swap3A_37 = tpu.vector_load %arg8[%swap3A, %swap3A_36] {strides = array<i32>} : memref<64x128xf32, #tpu.memory_space<vmem>>, vector<1x16xf32>,
      %swap3A_38 = vector.shape_cast %swap3A_37 : vector<1x16xf32> to vector<16xf32>
      %swap3A_39 = vector.shape_cast %add3A_35 : vector<16xf32> to vector<1x16xf32>
      tpu.vector_store %arg8[%swap3A, %swap3A_36], %swap3A_39 {strides = array<i32>} : memref<64x128xf32, #tpu.memory_space<vmem>>, vector<1x16xf32>,
      %get3A_40 = arith.index_cast %scan3A_27 : i32 to index
      %get3A_41 = arith.constant 16 : index
      %get3A_42 = tpu.vector_load %arg8[%get3A_40, %get3A_41] {strides = array<i32>} : memref<64x128xf32, #tpu.memory_space<vmem>>, vector<1x16xf32>,
      %get3A_43 = vector.shape_cast %get3A_42 : vector<1x16xf32> to vector<16xf32>
      %get3A_44 = arith.index_cast %scan3A_27 : i32 to index
      %get3A_45 = arith.constant 16 : index
      %get3A_46 = tpu.vector_load %arg7[%get3A_44, %get3A_45] {strides = array<i32>} : memref<64x128xf32, #tpu.memory_space<vmem>>, vector<1x16xf32>,
      %get3A_47 = vector.shape_cast %get3A_46 : vector<1x16xf32> to vector<16xf32>
      %add3A_48 = arith.addf %get3A_43, %get3A_47 : vector<16xf32>
      %swap3A_49 = arith.index_cast %scan3A_27 : i32 to index
      %swap3A_50 = arith.constant 16 : index
      %swap3A_51 = tpu.vector_load %arg8[%swap3A_49, %swap3A_50] {strides = array<i32>} : memref<64x128xf32, #tpu.memory_space<vmem>>, vector<1x16xf32>,
      %swap3A_52 = vector.shape_cast %swap3A_51 : vector<1x16xf32> to vector<16xf32>
      %swap3A_53 = vector.shape_cast %add3A_48 : vector<16xf32> to vector<1x16xf32>
      tpu.vector_store %arg8[%swap3A_49, %swap3A_50], %swap3A_53 {strides = array<i32>} : memref<64x128xf32, #tpu.memory_space<vmem>>, vector<1x16xf32>,
      %get3A_54 = arith.index_cast %scan3A_27 : i32 to index
      %get3A_55 = arith.constant 32 : index
      %get3A_56 = tpu.vector_load %arg8[%get3A_54, %get3A_55] {strides = array<i32>} : memref<64x128xf32, #tpu.memory_space<vmem>>, vector<1x16xf32>,
      %get3A_57 = vector.shape_cast %get3A_56 : vector<1x16xf32> to vector<16xf32>
      %get3A_58 = arith.index_cast %scan3A_27 : i32 to index
      %get3A_59 = arith.constant 32 : index
      %get3A_60 = tpu.vector_load %arg7[%get3A_58, %get3A_59] {strides = array<i32>} : memref<64x128xf32, #tpu.memory_space<vmem>>, vector<1x16xf32>,
      %get3A_61 = vector.shape_cast %get3A_60 : vector<1x16xf32> to vector<16xf32>
      %add3A_62 = arith.addf %get3A_57, %get3A_61 : vector<16xf32>
      %swap3A_63 = arith.index_cast %scan3A_27 : i32 to index
      %swap3A_64 = arith.constant 32 : index
      %swap3A_65 = tpu.vector_load %arg8[%swap3A_63, %swap3A_64] {strides = array<i32>} : memref<64x128xf32, #tpu.memory_space<vmem>>, vector<1x16xf32>,
      %swap3A_66 = vector.shape_cast %swap3A_65 : vector<1x16xf32> to vector<16xf32>
      %swap3A_67 = vector.shape_cast %add3A_62 : vector<16xf32> to vector<1x16xf32>
      tpu.vector_store %arg8[%swap3A_63, %swap3A_64], %swap3A_67 {strides = array<i32>} : memref<64x128xf32, #tpu.memory_space<vmem>>, vector<1x16xf32>,
      %get3A_68 = arith.index_cast %scan3A_27 : i32 to index
      %get3A_69 = arith.constant 48 : index
      %get3A_70 = tpu.vector_load %arg8[%get3A_68, %get3A_69] {strides = array<i32>} : memref<64x128xf32, #tpu.memory_space<vmem>>, vector<1x16xf32>,
      %get3A_71 = vector.shape_cast %get3A_70 : vector<1x16xf32> to vector<16xf32>
      %get3A_72 = arith.index_cast %scan3A_27 : i32 to index
      %get3A_73 = arith.constant 48 : index
      %get3A_74 = tpu.vector_load %arg7[%get3A_72, %get3A_73] {strides = array<i32>} : memref<64x128xf32, #tpu.memory_space<vmem>>, vector<1x16xf32>,
      %get3A_75 = vector.shape_cast %get3A_74 : vector<1x16xf32> to vector<16xf32>
      %add3A_76 = arith.addf %get3A_71, %get3A_75 : vector<16xf32>
      %swap3A_77 = arith.index_cast %scan3A_27 : i32 to index
      %swap3A_78 = arith.constant 48 : index
      %swap3A_79 = tpu.vector_load %arg8[%swap3A_77, %swap3A_78] {strides = array<i32>} : memref<64x128xf32, #tpu.memory_space<vmem>>, vector<1x16xf32>,
      %swap3A_80 = vector.shape_cast %swap3A_79 : vector<1x16xf32> to vector<16xf32>
      %swap3A_81 = vector.shape_cast %add3A_76 : vector<16xf32> to vector<1x16xf32>
      tpu.vector_store %arg8[%swap3A_77, %swap3A_78], %swap3A_81 {strides = array<i32>} : memref<64x128xf32, #tpu.memory_space<vmem>>, vector<1x16xf32>,
      %get3A_82 = arith.index_cast %scan3A_27 : i32 to index
      %get3A_83 = arith.constant 64 : index
      %get3A_84 = tpu.vector_load %arg8[%get3A_82, %get3A_83] {strides = array<i32>} : memref<64x128xf32, #tpu.memory_space<vmem>>, vector<1x16xf32>,
      %get3A_85 = vector.shape_cast %get3A_84 : vector<1x16xf32> to vector<16xf32>
      %get3A_86 = arith.index_cast %scan3A_27 : i32 to index
      %get3A_87 = arith.constant 64 : index
      %get3A_88 = tpu.vector_load %arg7[%get3A_86, %get3A_87] {strides = array<i32>} : memref<64x128xf32, #tpu.memory_space<vmem>>, vector<1x16xf32>,
      %get3A_89 = vector.shape_cast %get3A_88 : vector<1x16xf32> to vector<16xf32>
      %add3A_90 = arith.addf %get3A_85, %get3A_89 : vector<16xf32>
      %swap3A_91 = arith.index_cast %scan3A_27 : i32 to index
      %swap3A_92 = arith.constant 64 : index
      %swap3A_93 = tpu.vector_load %arg8[%swap3A_91, %swap3A_92] {strides = array<i32>} : memref<64x128xf32, #tpu.memory_space<vmem>>, vector<1x16xf32>,
      %swap3A_94 = vector.shape_cast %swap3A_93 : vector<1x16xf32> to vector<16xf32>
      %swap3A_95 = vector.shape_cast %add3A_90 : vector<16xf32> to vector<1x16xf32>
      tpu.vector_store %arg8[%swap3A_91, %swap3A_92], %swap3A_95 {strides = array<i32>} : memref<64x128xf32, #tpu.memory_space<vmem>>, vector<1x16xf32>,
      %get3A_96 = arith.index_cast %scan3A_27 : i32 to index
      %get3A_97 = arith.constant 80 : index
      %get3A_98 = tpu.vector_load %arg8[%get3A_96, %get3A_97] {strides = array<i32>} : memref<64x128xf32, #tpu.memory_space<vmem>>, vector<1x16xf32>,
      %get3A_99 = vector.shape_cast %get3A_98 : vector<1x16xf32> to vector<16xf32>
      %get3A_100 = arith.index_cast %scan3A_27 : i32 to index
      %get3A_101 = arith.constant 80 : index
      %get3A_102 = tpu.vector_load %arg7[%get3A_100, %get3A_101] {strides = array<i32>} : memref<64x128xf32, #tpu.memory_space<vmem>>, vector<1x16xf32>,
      %get3A_103 = vector.shape_cast %get3A_102 : vector<1x16xf32> to vector<16xf32>
      %add3A_104 = arith.addf %get3A_99, %get3A_103 : vector<16xf32>
      %swap3A_105 = arith.index_cast %scan3A_27 : i32 to index
      %swap3A_106 = arith.constant 80 : index
      %swap3A_107 = tpu.vector_load %arg8[%swap3A_105, %swap3A_106] {strides = array<i32>} : memref<64x128xf32, #tpu.memory_space<vmem>>, vector<1x16xf32>,
      %swap3A_108 = vector.shape_cast %swap3A_107 : vector<1x16xf32> to vector<16xf32>
      %swap3A_109 = vector.shape_cast %add3A_104 : vector<16xf32> to vector<1x16xf32>
      tpu.vector_store %arg8[%swap3A_105, %swap3A_106], %swap3A_109 {strides = array<i32>} : memref<64x128xf32, #tpu.memory_space<vmem>>, vector<1x16xf32>,
      %get3A_110 = arith.index_cast %scan3A_27 : i32 to index
      %get3A_111 = arith.constant 96 : index
      %get3A_112 = tpu.vector_load %arg8[%get3A_110, %get3A_111] {strides = array<i32>} : memref<64x128xf32, #tpu.memory_space<vmem>>, vector<1x16xf32>,
      %get3A_113 = vector.shape_cast %get3A_112 : vector<1x16xf32> to vector<16xf32>
      %get3A_114 = arith.index_cast %scan3A_27 : i32 to index
      %get3A_115 = arith.constant 96 : index
      %get3A_116 = tpu.vector_load %arg7[%get3A_114, %get3A_115] {strides = array<i32>} : memref<64x128xf32, #tpu.memory_space<vmem>>, vector<1x16xf32>,
      %get3A_117 = vector.shape_cast %get3A_116 : vector<1x16xf32> to vector<16xf32>
      %add3A_118 = arith.addf %get3A_113, %get3A_117 : vector<16xf32>
      %swap3A_119 = arith.index_cast %scan3A_27 : i32 to index
      %swap3A_120 = arith.constant 96 : index
      %swap3A_121 = tpu.vector_load %arg8[%swap3A_119, %swap3A_120] {strides = array<i32>} : memref<64x128xf32, #tpu.memory_space<vmem>>, vector<1x16xf32>,
      %swap3A_122 = vector.shape_cast %swap3A_121 : vector<1x16xf32> to vector<16xf32>
      %swap3A_123 = vector.shape_cast %add3A_118 : vector<16xf32> to vector<1x16xf32>
      tpu.vector_store %arg8[%swap3A_119, %swap3A_120], %swap3A_123 {strides = array<i32>} : memref<64x128xf32, #tpu.memory_space<vmem>>, vector<1x16xf32>,
      %get3A_124 = arith.index_cast %scan3A_27 : i32 to index
      %get3A_125 = arith.constant 112 : index
      %get3A_126 = tpu.vector_load %arg8[%get3A_124, %get3A_125] {strides = array<i32>} : memref<64x128xf32, #tpu.memory_space<vmem>>, vector<1x16xf32>,
      %get3A_127 = vector.shape_cast %get3A_126 : vector<1x16xf32> to vector<16xf32>
      %get3A_128 = arith.index_cast %scan3A_27 : i32 to index
      %get3A_129 = arith.constant 112 : index
      %get3A_130 = tpu.vector_load %arg7[%get3A_128, %get3A_129] {strides = array<i32>} : memref<64x128xf32, #tpu.memory_space<vmem>>, vector<1x16xf32>,
      %get3A_131 = vector.shape_cast %get3A_130 : vector<1x16xf32> to vector<16xf32>
      %add3A_132 = arith.addf %get3A_127, %get3A_131 : vector<16xf32>
      %swap3A_133 = arith.index_cast %scan3A_27 : i32 to index
      %swap3A_134 = arith.constant 112 : index
      %swap3A_135 = tpu.vector_load %arg8[%swap3A_133, %swap3A_134] {strides = array<i32>} : memref<64x128xf32, #tpu.memory_space<vmem>>, vector<1x16xf32>,
      %swap3A_136 = vector.shape_cast %swap3A_135 : vector<1x16xf32> to vector<16xf32>
      %swap3A_137 = vector.shape_cast %add3A_132 : vector<16xf32> to vector<1x16xf32>
      tpu.vector_store %arg8[%swap3A_133, %swap3A_134], %swap3A_137 {strides = array<i32>} : memref<64x128xf32, #tpu.memory_space<vmem>>, vector<1x16xf32>,
    }
    %scan3A_16 = arith.constant 64 : i32
    %scan3A_17 = arith.constant 0 : i32
    %scan3A_18 = arith.constant 0 : i32
    %scan3A_19 = arith.constant 64 : i32
    %scan3A_20 = arith.addi %scan3A_18, %scan3A_19 : i32
    %scan3A_21 = arith.constant 1 : i32
    scf.for %scan3A_27 = %scan3A_18 to %scan3A_20 step %scan3A_21  : i32 {
      %dma_start3A = arith.constant 0 : i32
      %dma_start3A_28 = tpu.memref_slice %arg8[%scan3A_27, %dma_start3A] : memref<64x128xf32, #tpu.memory_space<vmem>> -> memref<1x128xf32, #tpu.memory_space<vmem>>
      %dma_start3A_29 = tpu.memref_squeeze %dma_start3A_28 : memref<1x128xf32, #tpu.memory_space<vmem>> -> memref<128xf32, #tpu.memory_space<vmem>>
      %dma_start3A_30 = arith.constant 0 : i32
      %dma_start3A_31 = tpu.memref_slice %arg6[%scan3A_27, %dma_start3A_30] : memref<64x128xi32, #tpu.memory_space<vmem>> -> memref<1x128xi32, #tpu.memory_space<vmem>>
      %dma_start3A_32 = tpu.memref_squeeze %dma_start3A_31 : memref<1x128xi32, #tpu.memory_space<vmem>> -> memref<128xi32, #tpu.memory_space<vmem>>
      %dma_start3A_33 = arith.constant 0 : i32
      %dma_start3A_34 = tpu.memref_slice %arg5[%dma_start3A_33] : memref<102498304xf32, #tpu.memory_space<hbm>> -> memref<102498304xf32, #tpu.memory_space<hbm>>
      tpu.enqueue_indirect_dma source(%dma_start3A_29 : memref<128xf32, #tpu.memory_space<vmem>>) target(%dma_start3A_34 : memref<102498304xf32, #tpu.memory_space<hbm>>) offsets(%dma_start3A_32 : memref<128xi32, #tpu.memory_space<vmem>>) semaphore(%arg9 : memref<!tpu.dma_semaphore, #tpu.memory_space<semaphore_mem>>)
    }
    %scan3A_22 = arith.constant 64 : i32
    %dma_wait3A_23 = arith.constant 0 : i32
    %dma_wait3A_24 = tpu.memref_slice %arg4[%mul3A_2, %dma_wait3A_23] : memref<2048x128xf32, #tpu.memory_space<hbm>> -> memref<64x128xf32, #tpu.memory_space<hbm>>
    %dma_wait3A_25 = arith.constant 0 : i32
    %dma_wait3A_26 = tpu.memref_slice %arg4[%mul3A_2, %dma_wait3A_25] : memref<2048x128xf32, #tpu.memory_space<hbm>> -> memref<64x128xf32, #tpu.memory_space<hbm>>
    tpu.wait_dma2 semaphore(%arg9 : memref<!tpu.dma_semaphore, #tpu.memory_space<semaphore_mem>>) src(%dma_wait3A_26 : memref<64x128xf32, #tpu.memory_space<hbm>>) dst(%arg8 : memref<64x128xf32, #tpu.memory_space<vmem>>)
    return
  }
}

module attributes {stable_mosaic.version = 14 : i64} {
  func.func @body(%arg0: i32, %arg1: memref<8x512xf32, #tpu.memory_space<vmem>>, %arg2: memref<8x200x512xf32, #tpu.memory_space<vmem>>, %arg3: memref<8x200xi32, #tpu.memory_space<vmem>>, %arg4: memref<512x512xf32, #tpu.memory_space<vmem>>, %arg5: memref<512x512xf32, #tpu.memory_space<vmem>>, %arg6: memref<1x512xf32, #tpu.memory_space<vmem>>, %arg7: memref<1x512xf32, #tpu.memory_space<vmem>>, %arg8: memref<512x1xf32, #tpu.memory_space<vmem>>, %arg9: memref<512x1xf32, #tpu.memory_space<vmem>>, %arg10: memref<1x1xf32, #tpu.memory_space<vmem>>, %arg11: memref<8x200xf32, #tpu.memory_space<vmem>>, %arg12: memref<8x1xf32, #tpu.memory_space<vmem>>, %arg13: memref<8x256xf32, #tpu.memory_space<vmem>>, %arg14: memref<8x256xi32, #tpu.memory_space<vmem>>) attributes {dimension_semantics = [#tpu.dimension_semantics<arbitrary>], iteration_bounds = array<i64: 128>, scalar_prefetch = 0 : i64, scratch_operands = 0 : i64, tpu.core_type = #tpu.core_type<tc>, window_params = [{transform_indices = @transform_0, window_bounds = array<i64: 8, 512>}, {transform_indices = @transform_1, window_bounds = array<i64: 8, 200, 512>}, {transform_indices = @transform_2, window_bounds = array<i64: 8, 200>}, {pipeline_mode = #tpu.pipeline_mode<synchronous>, transform_indices = @transform_3, window_bounds = array<i64: 512, 512>}, {pipeline_mode = #tpu.pipeline_mode<synchronous>, transform_indices = @transform_4, window_bounds = array<i64: 512, 512>}, {pipeline_mode = #tpu.pipeline_mode<synchronous>, transform_indices = @transform_5, window_bounds = array<i64: 1, 512>}, {pipeline_mode = #tpu.pipeline_mode<synchronous>, transform_indices = @transform_6, window_bounds = array<i64: 1, 512>}, {pipeline_mode = #tpu.pipeline_mode<synchronous>, transform_indices = @transform_7, window_bounds = array<i64: 512, 1>}, {pipeline_mode = #tpu.pipeline_mode<synchronous>, transform_indices = @transform_8, window_bounds = array<i64: 512, 1>}, {pipeline_mode = #tpu.pipeline_mode<synchronous>, transform_indices = @transform_9, window_bounds = array<i64: 1, 1>}, {transform_indices = @transform_10, window_bounds = array<i64: 8, 200>}, {transform_indices = @transform_11, window_bounds = array<i64: 8, 1>}, {transform_indices = @transform_12, window_bounds = array<i64: 8, 256>}, {transform_indices = @transform_13, window_bounds = array<i64: 8, 256>}]} {
    %get3A = arith.constant 0 : index
    %get3A_0 = arith.constant 0 : index
    %get3A_1 = vector.load %arg1[%get3A, %get3A_0] : memref<8x512xf32, #tpu.memory_space<vmem>>, vector<8x512xf32>
    %get3A_2 = arith.constant 0 : index
    %get3A_3 = arith.constant 0 : index
    %get3A_4 = arith.constant 0 : index
    %get3A_5 = vector.load %arg2[%get3A_2, %get3A_3, %get3A_4] : memref<8x200x512xf32, #tpu.memory_space<vmem>>, vector<8x200x512xf32>
    %get3A_6 = arith.constant 0 : index
    %get3A_7 = arith.constant 0 : index
    %get3A_8 = vector.load %arg4[%get3A_6, %get3A_7] : memref<512x512xf32, #tpu.memory_space<vmem>>, vector<512x512xf32>
    %dot_general3A = arith.constant dense<0.000000e+00> : vector<8x512xf32>
    %dot_general3A_9 = tpu.matmul %get3A_1, %get3A_8, %dot_general3A {dimension_numbers = #tpu.dot_dimension_numbers<[1], [0], [0], [1], [0, 0, 1, 1], [], []>, transpose_lhs_hint = false} : vector<8x512xf32>, vector<512x512xf32>, vector<8x512xf32> -> vector<8x512xf32>
    %get3A_10 = arith.constant 0 : index
    %get3A_11 = arith.constant 0 : index
    %get3A_12 = vector.load %arg6[%get3A_10, %get3A_11] : memref<1x512xf32, #tpu.memory_space<vmem>>, vector<1x512xf32>
    %add3A = vector.broadcast %get3A_12 : vector<1x512xf32> to vector<8x512xf32>
    %add3A_13 = arith.addf %dot_general3A_9, %add3A : vector<8x512xf32>
    %reshape3A = vector.shape_cast %get3A_5 : vector<8x200x512xf32> to vector<1600x512xf32>
    %get3A_14 = arith.constant 0 : index
    %get3A_15 = arith.constant 0 : index
    %get3A_16 = vector.load %arg5[%get3A_14, %get3A_15] : memref<512x512xf32, #tpu.memory_space<vmem>>, vector<512x512xf32>
    %dot_general3A_17 = arith.constant dense<0.000000e+00> : vector<1600x512xf32>
    %dot_general3A_18 = tpu.matmul %reshape3A, %get3A_16, %dot_general3A_17 {dimension_numbers = #tpu.dot_dimension_numbers<[1], [0], [0], [1], [0, 0, 1, 1], [], []>, transpose_lhs_hint = false} : vector<1600x512xf32>, vector<512x512xf32>, vector<1600x512xf32> -> vector<1600x512xf32>
    %reshape3A_19 = vector.shape_cast %dot_general3A_18 : vector<1600x512xf32> to vector<8x200x512xf32>
    %broadcast_in_dim3A = vector.shape_cast %add3A_13 : vector<8x512xf32> to vector<8x1x512xf32>
    %add3A_20 = vector.broadcast %broadcast_in_dim3A : vector<8x1x512xf32> to vector<8x200x512xf32>
    %add3A_21 = arith.addf %reshape3A_19, %add3A_20 : vector<8x200x512xf32>
    %tanh3A = math.tanh %add3A_21 : vector<8x200x512xf32>
    %get3A_22 = arith.constant 0 : index
    %get3A_23 = arith.constant 0 : index
    %get3A_24 = vector.load %arg7[%get3A_22, %get3A_23] : memref<1x512xf32, #tpu.memory_space<vmem>>, vector<1x512xf32>
    %broadcast_in_dim3A_25 = vector.shape_cast %get3A_24 : vector<1x512xf32> to vector<1x1x512xf32>
    %mul3A = vector.broadcast %broadcast_in_dim3A_25 : vector<1x1x512xf32> to vector<8x200x512xf32>
    %mul3A_26 = arith.mulf %tanh3A, %mul3A : vector<8x200x512xf32>
    %reduce_sum3A = arith.constant dense<0.000000e+00> : vector<8x200xf32>
    %reduce_sum3A_27 = vector.multi_reduction <add>, %mul3A_26, %reduce_sum3A [2] : vector<8x200x512xf32> to vector<8x200xf32>
    %reduce_max3A = arith.constant dense<0xFF800000> : vector<8xf32>
    %reduce_max3A_28 = vector.multi_reduction <maximumf>, %reduce_sum3A_27, %reduce_max3A [1] : vector<8x200xf32> to vector<8xf32>
    %broadcast_in_dim3A_29 = vector.shape_cast %reduce_max3A_28 : vector<8xf32> to vector<8x1xf32>
    %sub3A = vector.broadcast %broadcast_in_dim3A_29 : vector<8x1xf32> to vector<8x200xf32>
    %sub3A_30 = arith.subf %reduce_sum3A_27, %sub3A : vector<8x200xf32>
    %exp3A = math.exp %sub3A_30 : vector<8x200xf32>
    %reduce_sum3A_31 = arith.constant dense<0.000000e+00> : vector<8xf32>
    %reduce_sum3A_32 = vector.multi_reduction <add>, %exp3A, %reduce_sum3A_31 [1] : vector<8x200xf32> to vector<8xf32>
    %broadcast_in_dim3A_33 = vector.shape_cast %reduce_sum3A_32 : vector<8xf32> to vector<8x1xf32>
    %div3A = vector.broadcast %broadcast_in_dim3A_33 : vector<8x1xf32> to vector<8x200xf32>
    %div3A_34 = arith.divf %exp3A, %div3A : vector<8x200xf32>
    %swap3A = arith.constant 0 : index
    %swap3A_35 = arith.constant 0 : index
    %swap3A_36 = vector.load %arg11[%swap3A, %swap3A_35] : memref<8x200xf32, #tpu.memory_space<vmem>>, vector<8x200xf32>
    tpu.vector_store %arg11[%swap3A, %swap3A_35], %div3A_34 {strides = array<i32>} : memref<8x200xf32, #tpu.memory_space<vmem>>, vector<8x200xf32>,
    %broadcast_in_dim3A_37 = vector.shape_cast %div3A_34 : vector<8x200xf32> to vector<8x200x1xf32>
    %mul3A_38 = vector.broadcast %broadcast_in_dim3A_37 : vector<8x200x1xf32> to vector<8x200x512xf32>
    %mul3A_39 = arith.mulf %mul3A_38, %get3A_5 : vector<8x200x512xf32>
    %reduce_sum3A_40 = arith.constant dense<0.000000e+00> : vector<8x512xf32>
    %reduce_sum3A_41 = vector.multi_reduction <add>, %mul3A_39, %reduce_sum3A_40 [1] : vector<8x200x512xf32> to vector<8x512xf32>
    %get3A_42 = arith.constant 0 : index
    %get3A_43 = arith.constant 0 : index
    %get3A_44 = vector.load %arg8[%get3A_42, %get3A_43] : memref<512x1xf32, #tpu.memory_space<vmem>>, vector<512x1xf32>
    %dot_general3A_45 = arith.constant dense<0.000000e+00> : vector<8x1xf32>
    %dot_general3A_46 = tpu.matmul %get3A_1, %get3A_44, %dot_general3A_45 {dimension_numbers = #tpu.dot_dimension_numbers<[1], [0], [0], [1], [0, 0, 1, 1], [], []>, transpose_lhs_hint = false} : vector<8x512xf32>, vector<512x1xf32>, vector<8x1xf32> -> vector<8x1xf32>
    %get3A_47 = arith.constant 0 : index
    %get3A_48 = arith.constant 0 : index
    %get3A_49 = vector.load %arg9[%get3A_47, %get3A_48] : memref<512x1xf32, #tpu.memory_space<vmem>>, vector<512x1xf32>
    %dot_general3A_50 = arith.constant dense<0.000000e+00> : vector<8x1xf32>
    %dot_general3A_51 = tpu.matmul %reduce_sum3A_41, %get3A_49, %dot_general3A_50 {dimension_numbers = #tpu.dot_dimension_numbers<[1], [0], [0], [1], [0, 0, 1, 1], [], []>, transpose_lhs_hint = false} : vector<8x512xf32>, vector<512x1xf32>, vector<8x1xf32> -> vector<8x1xf32>
    %add3A_52 = arith.addf %dot_general3A_46, %dot_general3A_51 : vector<8x1xf32>
    %get3A_53 = arith.constant 0 : index
    %get3A_54 = arith.constant 0 : index
    %get3A_55 = vector.load %arg10[%get3A_53, %get3A_54] : memref<1x1xf32, #tpu.memory_space<vmem>>, vector<1x1xf32>
    %add3A_56 = vector.broadcast %get3A_55 : vector<1x1xf32> to vector<8x1xf32>
    %add3A_57 = arith.addf %add3A_52, %add3A_56 : vector<8x1xf32>
    %logistic3A = arith.negf %add3A_57 : vector<8x1xf32>
    %logistic3A_58 = math.exp %logistic3A : vector<8x1xf32>
    %logistic3A_59 = arith.constant 1.000000e+00 : f32
    %logistic3A_60 = vector.broadcast %logistic3A_59 : f32 to vector<8x1xf32>
    %logistic3A_61 = arith.addf %logistic3A_60, %logistic3A_58 : vector<8x1xf32>
    %logistic3A_62 = arith.divf %logistic3A_60, %logistic3A_61 : vector<8x1xf32>
    %swap3A_63 = arith.constant 0 : index
    %swap3A_64 = arith.constant 0 : index
    %swap3A_65 = vector.load %arg12[%swap3A_63, %swap3A_64] : memref<8x1xf32, #tpu.memory_space<vmem>>, vector<8x1xf32>
    tpu.vector_store %arg12[%swap3A_63, %swap3A_64], %logistic3A_62 {strides = array<i32>} : memref<8x1xf32, #tpu.memory_space<vmem>>, vector<8x1xf32>,
    %get3A_66 = arith.constant 0 : index
    %get3A_67 = arith.constant 0 : index
    %get3A_68 = vector.load %arg3[%get3A_66, %get3A_67] : memref<8x200xi32, #tpu.memory_space<vmem>>, vector<8x200xi32>
    %broadcast_in_dim3A_69 = arith.constant 0 : i32
    %broadcast_in_dim3A_70 = vector.broadcast %broadcast_in_dim3A_69 : i32 to vector<8x56xi32>
    %concatenate3A = tpu.concatenate %get3A_68, %broadcast_in_dim3A_70 in 1 : vector<8x200xi32>, vector<8x56xi32> -> vector<8x256xi32>
    %broadcast_in_dim3A_71 = arith.constant 0.000000e+00 : f32
    %broadcast_in_dim3A_72 = vector.broadcast %broadcast_in_dim3A_71 : f32 to vector<8x56xf32>
    %concatenate3A_73 = tpu.concatenate %div3A_34, %broadcast_in_dim3A_72 in 1 : vector<8x200xf32>, vector<8x56xf32> -> vector<8x256xf32>
    %broadcast_in_dim3A_74 = vector.shape_cast %concatenate3A : vector<8x256xi32> to vector<8x256x1xi32>
    %broadcast_in_dim3A_75 = vector.shape_cast %concatenate3A : vector<8x256xi32> to vector<8x1x256xi32>
    %eq3A = vector.broadcast %broadcast_in_dim3A_74 : vector<8x256x1xi32> to vector<8x256x256xi32>
    %eq3A_76 = vector.broadcast %broadcast_in_dim3A_75 : vector<8x1x256xi32> to vector<8x256x256xi32>
    %eq3A_77 = arith.cmpi eq, %eq3A, %eq3A_76 : vector<8x256x256xi32>
    %convert_element_type3A = arith.extui %eq3A_77 : vector<8x256x256xi1> to vector<8x256x256xi32>
    %convert_element_type3A_78 = arith.sitofp %convert_element_type3A : vector<8x256x256xi32> to vector<8x256x256xf32>
    %broadcast_in_dim3A_79 = vector.shape_cast %concatenate3A_73 : vector<8x256xf32> to vector<8x256x1xf32>
    %mul3A_80 = vector.broadcast %broadcast_in_dim3A_79 : vector<8x256x1xf32> to vector<8x256x256xf32>
    %mul3A_81 = arith.mulf %mul3A_80, %convert_element_type3A_78 : vector<8x256x256xf32>
    %reduce_sum3A_82 = arith.constant dense<0.000000e+00> : vector<8x256xf32>
    %reduce_sum3A_83 = vector.multi_reduction <add>, %mul3A_81, %reduce_sum3A_82 [1] : vector<8x256x256xf32> to vector<8x256xf32>
    %mul3A_84 = vector.broadcast %logistic3A_62 : vector<8x1xf32> to vector<8x256xf32>
    %mul3A_85 = arith.mulf %reduce_sum3A_83, %mul3A_84 : vector<8x256xf32>
    %swap3A_86 = arith.constant 0 : index
    %swap3A_87 = arith.constant 0 : index
    %swap3A_88 = vector.load %arg13[%swap3A_86, %swap3A_87] : memref<8x256xf32, #tpu.memory_space<vmem>>, vector<8x256xf32>
    tpu.vector_store %arg13[%swap3A_86, %swap3A_87], %mul3A_85 {strides = array<i32>} : memref<8x256xf32, #tpu.memory_space<vmem>>, vector<8x256xf32>,
    %mul3A_89 = arith.constant 8 : i32
    %mul3A_90 = arith.muli %arg0, %mul3A_89 : i32
    %iota3A = tpu.iota {dimensions = array<i32: 0>} : vector<8x1xi32>
    %add3A_91 = vector.broadcast %mul3A_90 : i32 to vector<8x1xi32>
    %add3A_92 = arith.addi %add3A_91, %iota3A : vector<8x1xi32>
    %shift_right_arithmetic3A = arith.constant 3 : i32
    %shift_right_arithmetic3A_93 = vector.broadcast %shift_right_arithmetic3A : i32 to vector<8x1xi32>
    %shift_right_arithmetic3A_94 = arith.shrsi %add3A_92, %shift_right_arithmetic3A_93 : vector<8x1xi32>
    %mul3A_95 = arith.constant 782 : i32
    %mul3A_96 = vector.broadcast %mul3A_95 : i32 to vector<8x1xi32>
    %mul3A_97 = arith.muli %shift_right_arithmetic3A_94, %mul3A_96 : vector<8x1xi32>
    %shift_right_arithmetic3A_98 = arith.constant 7 : i32
    %shift_right_arithmetic3A_99 = vector.broadcast %shift_right_arithmetic3A_98 : i32 to vector<8x256xi32>
    %shift_right_arithmetic3A_100 = arith.shrsi %concatenate3A, %shift_right_arithmetic3A_99 : vector<8x256xi32>
    %add3A_101 = vector.broadcast %mul3A_97 : vector<8x1xi32> to vector<8x256xi32>
    %add3A_102 = arith.addi %add3A_101, %shift_right_arithmetic3A_100 : vector<8x256xi32>
    %shift_left3A = arith.constant 10 : i32
    %shift_left3A_103 = vector.broadcast %shift_left3A : i32 to vector<8x256xi32>
    %shift_left3A_104 = arith.shli %add3A_102, %shift_left3A_103 : vector<8x256xi32>
    %and3A = arith.constant 7 : i32
    %and3A_105 = vector.broadcast %and3A : i32 to vector<8x1xi32>
    %and3A_106 = arith.andi %add3A_92, %and3A_105 : vector<8x1xi32>
    %shift_left3A_107 = arith.constant 7 : i32
    %shift_left3A_108 = vector.broadcast %shift_left3A_107 : i32 to vector<8x1xi32>
    %shift_left3A_109 = arith.shli %and3A_106, %shift_left3A_108 : vector<8x1xi32>
    %add3A_110 = vector.broadcast %shift_left3A_109 : vector<8x1xi32> to vector<8x256xi32>
    %add3A_111 = arith.addi %shift_left3A_104, %add3A_110 : vector<8x256xi32>
    %and3A_112 = arith.constant 127 : i32
    %and3A_113 = vector.broadcast %and3A_112 : i32 to vector<8x256xi32>
    %and3A_114 = arith.andi %concatenate3A, %and3A_113 : vector<8x256xi32>
    %add3A_115 = arith.addi %add3A_111, %and3A_114 : vector<8x256xi32>
    %swap3A_116 = arith.constant 0 : index
    %swap3A_117 = arith.constant 0 : index
    %swap3A_118 = vector.load %arg14[%swap3A_116, %swap3A_117] : memref<8x256xi32, #tpu.memory_space<vmem>>, vector<8x256xi32>
    tpu.vector_store %arg14[%swap3A_116, %swap3A_117], %add3A_115 {strides = array<i32>} : memref<8x256xi32, #tpu.memory_space<vmem>>, vector<8x256xi32>,
    return
  }
  func.func @transform_0(%arg0: i32) -> (i32, i32) {
    %c0_i32 = arith.constant 0 : i32
    %c0_i32_0 = arith.constant 0 : i32
    return %arg0, %c0_i32 : i32, i32
  }
  func.func @transform_1(%arg0: i32) -> (i32, i32, i32) {
    %c0_i32 = arith.constant 0 : i32
    %c0_i32_0 = arith.constant 0 : i32
    %c0_i32_1 = arith.constant 0 : i32
    return %arg0, %c0_i32, %c0_i32_0 : i32, i32, i32
  }
  func.func @transform_2(%arg0: i32) -> (i32, i32) {
    %c0_i32 = arith.constant 0 : i32
    %c0_i32_0 = arith.constant 0 : i32
    return %arg0, %c0_i32 : i32, i32
  }
  func.func @transform_3(%arg0: i32) -> (i32, i32) {
    %c0_i32 = arith.constant 0 : i32
    %c0_i32_0 = arith.constant 0 : i32
    %c0_i32_1 = arith.constant 0 : i32
    return %c0_i32, %c0_i32_0 : i32, i32
  }
  func.func @transform_4(%arg0: i32) -> (i32, i32) {
    %c0_i32 = arith.constant 0 : i32
    %c0_i32_0 = arith.constant 0 : i32
    %c0_i32_1 = arith.constant 0 : i32
    return %c0_i32, %c0_i32_0 : i32, i32
  }
  func.func @transform_5(%arg0: i32) -> (i32, i32) {
    %c0_i32 = arith.constant 0 : i32
    %c0_i32_0 = arith.constant 0 : i32
    %c0_i32_1 = arith.constant 0 : i32
    return %c0_i32, %c0_i32_0 : i32, i32
  }
  func.func @transform_6(%arg0: i32) -> (i32, i32) {
    %c0_i32 = arith.constant 0 : i32
    %c0_i32_0 = arith.constant 0 : i32
    %c0_i32_1 = arith.constant 0 : i32
    return %c0_i32, %c0_i32_0 : i32, i32
  }
  func.func @transform_7(%arg0: i32) -> (i32, i32) {
    %c0_i32 = arith.constant 0 : i32
    %c0_i32_0 = arith.constant 0 : i32
    %c0_i32_1 = arith.constant 0 : i32
    return %c0_i32, %c0_i32_0 : i32, i32
  }
  func.func @transform_8(%arg0: i32) -> (i32, i32) {
    %c0_i32 = arith.constant 0 : i32
    %c0_i32_0 = arith.constant 0 : i32
    %c0_i32_1 = arith.constant 0 : i32
    return %c0_i32, %c0_i32_0 : i32, i32
  }
  func.func @transform_9(%arg0: i32) -> (i32, i32) {
    %c0_i32 = arith.constant 0 : i32
    %c0_i32_0 = arith.constant 0 : i32
    %c0_i32_1 = arith.constant 0 : i32
    return %c0_i32, %c0_i32_0 : i32, i32
  }
  func.func @transform_10(%arg0: i32) -> (i32, i32) {
    %c0_i32 = arith.constant 0 : i32
    %c0_i32_0 = arith.constant 0 : i32
    return %arg0, %c0_i32 : i32, i32
  }
  func.func @transform_11(%arg0: i32) -> (i32, i32) {
    %c0_i32 = arith.constant 0 : i32
    %c0_i32_0 = arith.constant 0 : i32
    return %arg0, %c0_i32 : i32, i32
  }
  func.func @transform_12(%arg0: i32) -> (i32, i32) {
    %c0_i32 = arith.constant 0 : i32
    %c0_i32_0 = arith.constant 0 : i32
    return %arg0, %c0_i32 : i32, i32
  }
  func.func @transform_13(%arg0: i32) -> (i32, i32) {
    %c0_i32 = arith.constant 0 : i32
    %c0_i32_0 = arith.constant 0 : i32
    return %arg0, %c0_i32 : i32, i32
  }
}

module attributes {stable_mosaic.version = 14 : i64} {
  func.func @body(%arg0: i32, %arg1: memref<1024x1xf32, #tpu.memory_space<vmem>>, %arg2: memref<1024x1024xf32, #tpu.memory_space<vmem>>, %arg3: memref<128x8x8x128xf32, #tpu.memory_space<vmem>>) attributes {dimension_semantics = [#tpu.dimension_semantics<arbitrary>], iteration_bounds = array<i64: 98>, scalar_prefetch = 0 : i64, scratch_operands = 0 : i64, tpu.core_type = #tpu.core_type<tc>, window_params = [{pipeline_mode = #tpu.pipeline_mode<synchronous>, transform_indices = @transform_0, window_bounds = array<i64: 1024, 1>}, {transform_indices = @transform_1, window_bounds = array<i64: 1024, 1024>}, {transform_indices = @transform_2, window_bounds = array<i64: 128, 8, 8, 128>}]} {
    %get3A = arith.constant 0 : index
    %get3A_0 = arith.constant 0 : index
    %get3A_1 = vector.load %arg1[%get3A, %get3A_0] : memref<1024x1xf32, #tpu.memory_space<vmem>>, vector<1024x1xf32>
    %sub3A = arith.constant 1.000000e+00 : f32
    %sub3A_2 = vector.broadcast %sub3A : f32 to vector<1024x1xf32>
    %sub3A_3 = arith.subf %sub3A_2, %get3A_1 : vector<1024x1xf32>
    %get3A_4 = arith.constant 0 : index
    %get3A_5 = arith.constant 0 : index
    %get3A_6 = vector.load %arg2[%get3A_4, %get3A_5] : memref<1024x1024xf32, #tpu.memory_space<vmem>>, vector<1024x1024xf32>
    %transpose3A = tpu.transpose %get3A_6, [1, 0] : vector<1024x1024xf32> -> vector<1024x1024xf32>
    %mul3A = vector.broadcast %sub3A_3 : vector<1024x1xf32> to vector<1024x1024xf32>
    %mul3A_7 = arith.mulf %mul3A, %transpose3A : vector<1024x1024xf32>
    %reshape3A = vector.shape_cast %mul3A_7 : vector<1024x1024xf32> to vector<128x8x1024xf32>
    %slice3A = vector.extract_strided_slice %reshape3A {offsets = [0, 0, 0], sizes = [128, 8, 128], strides = [1, 1, 1]} : vector<128x8x1024xf32> to vector<128x8x128xf32>
    %swap3A = arith.constant 0 : index
    %swap3A_8 = arith.constant 0 : index
    %swap3A_9 = arith.constant 0 : index
    %swap3A_10 = arith.constant 0 : index
    %swap3A_11 = vector.load %arg3[%swap3A, %swap3A_8, %swap3A_9, %swap3A_10] : memref<128x8x8x128xf32, #tpu.memory_space<vmem>>, vector<128x1x8x128xf32>
    %swap3A_12 = vector.shape_cast %swap3A_11 : vector<128x1x8x128xf32> to vector<128x8x128xf32>
    %swap3A_13 = vector.shape_cast %slice3A : vector<128x8x128xf32> to vector<128x1x8x128xf32>
    tpu.vector_store %arg3[%swap3A, %swap3A_8, %swap3A_9, %swap3A_10], %swap3A_13 {strides = array<i32>} : memref<128x8x8x128xf32, #tpu.memory_space<vmem>>, vector<128x1x8x128xf32>,
    %slice3A_14 = vector.extract_strided_slice %reshape3A {offsets = [0, 0, 128], sizes = [128, 8, 128], strides = [1, 1, 1]} : vector<128x8x1024xf32> to vector<128x8x128xf32>
    %swap3A_15 = arith.constant 0 : index
    %swap3A_16 = arith.constant 1 : index
    %swap3A_17 = arith.constant 0 : index
    %swap3A_18 = arith.constant 0 : index
    %swap3A_19 = vector.load %arg3[%swap3A_15, %swap3A_16, %swap3A_17, %swap3A_18] : memref<128x8x8x128xf32, #tpu.memory_space<vmem>>, vector<128x1x8x128xf32>
    %swap3A_20 = vector.shape_cast %swap3A_19 : vector<128x1x8x128xf32> to vector<128x8x128xf32>
    %swap3A_21 = vector.shape_cast %slice3A_14 : vector<128x8x128xf32> to vector<128x1x8x128xf32>
    tpu.vector_store %arg3[%swap3A_15, %swap3A_16, %swap3A_17, %swap3A_18], %swap3A_21 {strides = array<i32>} : memref<128x8x8x128xf32, #tpu.memory_space<vmem>>, vector<128x1x8x128xf32>,
    %slice3A_22 = vector.extract_strided_slice %reshape3A {offsets = [0, 0, 256], sizes = [128, 8, 128], strides = [1, 1, 1]} : vector<128x8x1024xf32> to vector<128x8x128xf32>
    %swap3A_23 = arith.constant 0 : index
    %swap3A_24 = arith.constant 2 : index
    %swap3A_25 = arith.constant 0 : index
    %swap3A_26 = arith.constant 0 : index
    %swap3A_27 = vector.load %arg3[%swap3A_23, %swap3A_24, %swap3A_25, %swap3A_26] : memref<128x8x8x128xf32, #tpu.memory_space<vmem>>, vector<128x1x8x128xf32>
    %swap3A_28 = vector.shape_cast %swap3A_27 : vector<128x1x8x128xf32> to vector<128x8x128xf32>
    %swap3A_29 = vector.shape_cast %slice3A_22 : vector<128x8x128xf32> to vector<128x1x8x128xf32>
    tpu.vector_store %arg3[%swap3A_23, %swap3A_24, %swap3A_25, %swap3A_26], %swap3A_29 {strides = array<i32>} : memref<128x8x8x128xf32, #tpu.memory_space<vmem>>, vector<128x1x8x128xf32>,
    %slice3A_30 = vector.extract_strided_slice %reshape3A {offsets = [0, 0, 384], sizes = [128, 8, 128], strides = [1, 1, 1]} : vector<128x8x1024xf32> to vector<128x8x128xf32>
    %swap3A_31 = arith.constant 0 : index
    %swap3A_32 = arith.constant 3 : index
    %swap3A_33 = arith.constant 0 : index
    %swap3A_34 = arith.constant 0 : index
    %swap3A_35 = vector.load %arg3[%swap3A_31, %swap3A_32, %swap3A_33, %swap3A_34] : memref<128x8x8x128xf32, #tpu.memory_space<vmem>>, vector<128x1x8x128xf32>
    %swap3A_36 = vector.shape_cast %swap3A_35 : vector<128x1x8x128xf32> to vector<128x8x128xf32>
    %swap3A_37 = vector.shape_cast %slice3A_30 : vector<128x8x128xf32> to vector<128x1x8x128xf32>
    tpu.vector_store %arg3[%swap3A_31, %swap3A_32, %swap3A_33, %swap3A_34], %swap3A_37 {strides = array<i32>} : memref<128x8x8x128xf32, #tpu.memory_space<vmem>>, vector<128x1x8x128xf32>,
    %slice3A_38 = vector.extract_strided_slice %reshape3A {offsets = [0, 0, 512], sizes = [128, 8, 128], strides = [1, 1, 1]} : vector<128x8x1024xf32> to vector<128x8x128xf32>
    %swap3A_39 = arith.constant 0 : index
    %swap3A_40 = arith.constant 4 : index
    %swap3A_41 = arith.constant 0 : index
    %swap3A_42 = arith.constant 0 : index
    %swap3A_43 = vector.load %arg3[%swap3A_39, %swap3A_40, %swap3A_41, %swap3A_42] : memref<128x8x8x128xf32, #tpu.memory_space<vmem>>, vector<128x1x8x128xf32>
    %swap3A_44 = vector.shape_cast %swap3A_43 : vector<128x1x8x128xf32> to vector<128x8x128xf32>
    %swap3A_45 = vector.shape_cast %slice3A_38 : vector<128x8x128xf32> to vector<128x1x8x128xf32>
    tpu.vector_store %arg3[%swap3A_39, %swap3A_40, %swap3A_41, %swap3A_42], %swap3A_45 {strides = array<i32>} : memref<128x8x8x128xf32, #tpu.memory_space<vmem>>, vector<128x1x8x128xf32>,
    %slice3A_46 = vector.extract_strided_slice %reshape3A {offsets = [0, 0, 640], sizes = [128, 8, 128], strides = [1, 1, 1]} : vector<128x8x1024xf32> to vector<128x8x128xf32>
    %swap3A_47 = arith.constant 0 : index
    %swap3A_48 = arith.constant 5 : index
    %swap3A_49 = arith.constant 0 : index
    %swap3A_50 = arith.constant 0 : index
    %swap3A_51 = vector.load %arg3[%swap3A_47, %swap3A_48, %swap3A_49, %swap3A_50] : memref<128x8x8x128xf32, #tpu.memory_space<vmem>>, vector<128x1x8x128xf32>
    %swap3A_52 = vector.shape_cast %swap3A_51 : vector<128x1x8x128xf32> to vector<128x8x128xf32>
    %swap3A_53 = vector.shape_cast %slice3A_46 : vector<128x8x128xf32> to vector<128x1x8x128xf32>
    tpu.vector_store %arg3[%swap3A_47, %swap3A_48, %swap3A_49, %swap3A_50], %swap3A_53 {strides = array<i32>} : memref<128x8x8x128xf32, #tpu.memory_space<vmem>>, vector<128x1x8x128xf32>,
    %slice3A_54 = vector.extract_strided_slice %reshape3A {offsets = [0, 0, 768], sizes = [128, 8, 128], strides = [1, 1, 1]} : vector<128x8x1024xf32> to vector<128x8x128xf32>
    %swap3A_55 = arith.constant 0 : index
    %swap3A_56 = arith.constant 6 : index
    %swap3A_57 = arith.constant 0 : index
    %swap3A_58 = arith.constant 0 : index
    %swap3A_59 = vector.load %arg3[%swap3A_55, %swap3A_56, %swap3A_57, %swap3A_58] : memref<128x8x8x128xf32, #tpu.memory_space<vmem>>, vector<128x1x8x128xf32>
    %swap3A_60 = vector.shape_cast %swap3A_59 : vector<128x1x8x128xf32> to vector<128x8x128xf32>
    %swap3A_61 = vector.shape_cast %slice3A_54 : vector<128x8x128xf32> to vector<128x1x8x128xf32>
    tpu.vector_store %arg3[%swap3A_55, %swap3A_56, %swap3A_57, %swap3A_58], %swap3A_61 {strides = array<i32>} : memref<128x8x8x128xf32, #tpu.memory_space<vmem>>, vector<128x1x8x128xf32>,
    %slice3A_62 = vector.extract_strided_slice %reshape3A {offsets = [0, 0, 896], sizes = [128, 8, 128], strides = [1, 1, 1]} : vector<128x8x1024xf32> to vector<128x8x128xf32>
    %swap3A_63 = arith.constant 0 : index
    %swap3A_64 = arith.constant 7 : index
    %swap3A_65 = arith.constant 0 : index
    %swap3A_66 = arith.constant 0 : index
    %swap3A_67 = vector.load %arg3[%swap3A_63, %swap3A_64, %swap3A_65, %swap3A_66] : memref<128x8x8x128xf32, #tpu.memory_space<vmem>>, vector<128x1x8x128xf32>
    %swap3A_68 = vector.shape_cast %swap3A_67 : vector<128x1x8x128xf32> to vector<128x8x128xf32>
    %swap3A_69 = vector.shape_cast %slice3A_62 : vector<128x8x128xf32> to vector<128x1x8x128xf32>
    tpu.vector_store %arg3[%swap3A_63, %swap3A_64, %swap3A_65, %swap3A_66], %swap3A_69 {strides = array<i32>} : memref<128x8x8x128xf32, #tpu.memory_space<vmem>>, vector<128x1x8x128xf32>,
    return
  }
  func.func @transform_0(%arg0: i32) -> (i32, i32) {
    %c0_i32 = arith.constant 0 : i32
    %c0_i32_0 = arith.constant 0 : i32
    %c0_i32_1 = arith.constant 0 : i32
    return %c0_i32, %c0_i32_0 : i32, i32
  }
  func.func @transform_1(%arg0: i32) -> (i32, i32) {
    %c0_i32 = arith.constant 0 : i32
    %c0_i32_0 = arith.constant 0 : i32
    return %arg0, %c0_i32 : i32, i32
  }
  func.func @transform_2(%arg0: i32) -> (i32, i32, i32, i32) {
    %c0_i32 = arith.constant 0 : i32
    %c0_i32_0 = arith.constant 0 : i32
    %c0_i32_1 = arith.constant 0 : i32
    %c0_i32_2 = arith.constant 0 : i32
    return %c0_i32, %arg0, %c0_i32_0, %c0_i32_1 : i32, i32, i32, i32
  }
}

</mosaic_0001>

<sc_bundles>
// kernel: kernel.5.cloned.1.call-start
scs
__scs_entry_jumppad:
0x0: {  	(pc) =	sbr.rel $0x88, $3  }
0x1: {  	(tag) =	ssettag $0x0;
	lr =	simm.s32 $0x1  }
0x2: {  	[smem:$0x3F98] =	sst lr;
	_ =	strace $0xD0000000  }
0x3: {  	_ = 	snop  }
0x4: {  	_ = 	snop  }
0x5: {  	_ = 	snop  }
0x6: {  	_ = 	snop  }
0x7: {  	_ = 	snop  }
__scs_overlays_trampoline_lowered:
0x8: {  	[smem:$0x3FA7] =	sst s0  }
0x9: {  	[smem:$0x3FA8] =	sst s1  }
0xa: {  	[smem:$0x3FA9] =	sst s2  }
0xb: {  	[smem:$0x3FAA] =	sst s3  }
0xc: {  	[smem:$0x3FAB] =	sst s4  }
0xd: {  	[smem:$0x3FAC] =	sst s5  }
0xe: {  	[smem:$0x3FAD] =	sst s6  }
0xf: {  	[smem:$0x3FAE] =	sst s7  }
0x10: {  	[smem:$0x3FAF] =	sst s8  }
0x11: {  	[smem:$0x3FB0] =	sst s9;
	s0 =	simm.s32 @!p0 $0x0  }
0x12: {  	s1 =	sld [smem:$0x3F96];
	s0 =	simm.s32 @p0 $0x1  }
0x13: {  	[smem:$0x3FB1] =	sst s0;
	s0 =	simm.s32 @!p1 $0x0  }
0x14: {  	s2 =	sld [smem:$0x3F95];
	s0 =	simm.s32 @p1 $0x1  }
0x15: {  	[smem:$0x3FB2] =	sst s0;
	s0 =	simm.s32 @!p2 $0x0  }
0x16: {  	s3 =	sld [smem:$0x3FDB];
	s0 =	simm.s32 @p2 $0x1  }
0x17: {  	s4 =	simm.s32 $0x1BF5;
	[smem:$0x3FB4] =	sst s0  }
0x18: {  	s0 =	sld [smem:$0x3F97];
	_ =	swait.ge [sflag:s4], $0x0  }
0x19: {  	s7 =	sld [smem:$0x3F98]  }
0x1a: {  	s8 =	sadd.s32 $0xFFFFE003, lr  }
0x1b: {  	s9 =	sadd.s32 $0xFFFFFEF7, lr;
	s5 =	simm.s32 $0xFFFFFFFF;
	p2 =	slt.u32 s8, $0xFFFFF086  }
0x1c: {  	p1 =	slt.u32 s9, $0xF7A;
	s5 =	simm.s32 @!p2 $0x0  }
0x1d: {  	s5 =	simm.s32 @p1 $0x1;
	p0 =	seq.s32 s7, s2  }
0x1e: {  	s7 =	smul.u32 @!p0 $0xF7A, s2;
	p2 =	seq.s32 @!p0 s5, $0x0  }
0x1f: {  	s9 =	smul.u32 $0xF7A, s1;
	s8 =	simm.s32 @!p0 $0x1BF5;
	p2 =	por !p2, p0  }
0x20: {  	[sflag:s8] =	ssyncset.s32 @!p0 $0xFFFFF086;
	s6 =	sadd.s32 @!p0 s3, s7;
	s7 =	simm.s32 @!p0 $0x108  }
0x21: {  	s3 =	sadd.s32 s3, s9;
	s6 =	sadd.s32 @!p0 $0x88, s6;
	s7 =	simm.s32 @p2 $0x1082  }
0x22: {  	[simem:s7], [sflag:s8] =	dma.local @!p0 [hbm:s6], $0xF7A  }
0x23: {  	s9 =	sor.u32 $0xD0000000, s2;
	s6 =	simm.s32 $0x108;
	_ =	swait.ge @!p0 [sflag:s8], $0x0  }
0x24: {  	s3 =	sadd.s32 $0x88, s3;
	s6 =	simm.s32 @!p1 $0x1082;
	[sflag:s4] =	ssyncset.s32 $0xFFFFF086  }
0x25: {  	[simem:s6], [sflag:s4] =	dma.local [hbm:s3], $0xF7A  }
0x26: {  	[smem:$0x3F98] =	sst s1;
	(tag) =	ssettag s2;
	_ =	strace s9  }
0x27: {  	s1 =	sld [smem:$0x3FA8]  }
0x28: {  	s2 =	sld [smem:$0x3FA9]  }
0x29: {  	s4 =	sld [smem:$0x3FAB]  }
0x2a: {  	p0 =	seq.s32 s5, $0x0;
	s5 =	sld [smem:$0x3FAC]  }
0x2b: {  	s6 =	sld [smem:$0x3FAD]  }
0x2c: {  	s7 =	sld [smem:$0x3FAE]  }
0x2d: {  	s3 =	simm.s32 $0x108;
	s8 =	sld [smem:$0x3FAF]  }
0x2e: {  	s3 =	simm.s32 @!p0 $0x1082;
	s9 =	sld [smem:$0x3FB0]  }
0x2f: {  	lr =	sadd.s32 s0, s3;
	s0 =	sld [smem:$0x3FA7]  }
0x30: {  	s3 =	sld [smem:$0x3FAA]  }
0x31: {  	[smem:$0x3FB3] =	sst s10  }
0x32: {  	s10 =	sld [smem:$0x3FB1];
	_ =	sdelay $0x3  }
0x33: {  	p0 =	seq.s32 s10, $0x1;
	s10 =	sld [smem:$0x3FB3];
	_ =	sdelay $0x3  }
0x34: {  	[smem:$0x3FB3] =	sst s10  }
0x35: {  	s10 =	sld [smem:$0x3FB2];
	_ =	sdelay $0x3  }
0x36: {  	p1 =	seq.s32 s10, $0x1;
	s10 =	sld [smem:$0x3FB3];
	_ =	sdelay $0x3  }
0x37: {  	[smem:$0x3FB3] =	sst s10  }
0x38: {  	s10 =	sld [smem:$0x3FB4]  }
0x39: {  	_ = 	snop;
	(pc) =	sbr.ind lr, $3  }
0x3a: {  	_ = 	snop  }
0x3b: {  	_ = 	snop  }
0x3c: {  	p2 =	seq.s32 s10, $0x1;
	s10 =	sld [smem:$0x3FB3]  }
0x3d: {  	_ =	shalt  }
0x3e: {  	_ =	shalt  }
0x3f: {  	_ =	shalt  }
0x40: {  	_ =	shalt  }
0x41: {  	_ =	shalt  }
0x42: {  	_ =	shalt  }
0x43: {  	_ =	shalt  }
0x44: {  	_ =	shalt  }
0x45: {  	_ =	shalt  }
0x46: {  	_ =	shalt  }
0x47: {  	_ =	shalt  }
0x48: {  	_ =	shalt  }
0x49: {  	_ =	shalt  }
0x4a: {  	_ =	shalt  }
0x4b: {  	_ =	shalt  }
0x4c: {  	_ =	shalt  }
0x4d: {  	_ =	shalt  }
0x4e: {  	_ =	shalt  }
0x4f: {  	_ =	shalt  }
0x50: {  	_ =	shalt  }
0x51: {  	_ =	shalt  }
0x52: {  	_ =	shalt  }
0x53: {  	_ =	shalt  }
0x54: {  	_ =	shalt  }
0x55: {  	_ =	shalt  }
0x56: {  	_ =	shalt  }
0x57: {  	_ =	shalt  }
0x58: {  	_ =	shalt  }
0x59: {  	_ =	shalt  }
0x5a: {  	_ =	shalt  }
0x5b: {  	_ =	shalt  }
0x5c: {  	_ =	shalt  }
0x5d: {  	_ =	shalt  }
0x5e: {  	_ =	shalt  }
0x5f: {  	_ =	shalt  }
0x60: {  	_ =	shalt  }
0x61: {  	_ =	shalt  }
0x62: {  	_ =	shalt  }
0x63: {  	_ =	shalt  }
0x64: {  	_ =	shalt  }
0x65: {  	_ =	shalt  }
0x66: {  	_ =	shalt  }
0x67: {  	_ =	shalt  }
0x68: {  	_ =	shalt  }
0x69: {  	_ =	shalt  }
0x6a: {  	_ =	shalt  }
0x6b: {  	_ =	shalt  }
0x6c: {  	_ =	shalt  }
0x6d: {  	_ =	shalt  }
0x6e: {  	_ =	shalt  }
0x6f: {  	_ =	shalt  }
0x70: {  	_ =	shalt  }
0x71: {  	_ =	shalt  }
0x72: {  	_ =	shalt  }
0x73: {  	_ =	shalt  }
0x74: {  	_ =	shalt  }
0x75: {  	_ =	shalt  }
0x76: {  	_ =	shalt  }
0x77: {  	_ =	shalt  }
0x78: {  	_ =	shalt  }
0x79: {  	_ =	shalt  }
0x7a: {  	_ =	shalt  }
0x7b: {  	_ =	shalt  }
0x7c: {  	_ =	shalt  }
0x7d: {  	_ =	shalt  }
0x7e: {  	_ =	shalt  }
0x7f: {  	_ =	shalt  }
0x80: {  	_ =	shalt  }
0x81: {  	_ =	shalt  }
0x82: {  	_ =	shalt  }
0x83: {  	_ =	shalt  }
0x84: {  	_ =	shalt  }
0x85: {  	_ =	shalt  }
0x86: {  	_ =	shalt  }
0x87: {  	_ =	shalt  }
.Lfunc_end0:
.L_simem_size_0:
called_computation.1_lowered:
.L_overlay_start_0:
0x88: {  	s2 =	sld [smem:$0x3FD9]  }
0x89: {  	s3 =	sld [smem:$0x3FFE];
	_ =	sdelay $0x1  }
0x8a: {  	s1 =	srdreg.scid  }
0x8b: {  	s0 =	sand.u32 $0x1, s1  }
0x8c: {  	s14 =	sshll.u32 s0, $0xA;
	s2 =	sadd.s32 s3, s2  }
0x8d: {  	s2 =	sadd.s32 s2, s14  }
0x8e: {  	[smem:$0x3FBF] =	sst s2  }
0x8f: {  	_ = 	snop  }
0x90: {  	s2 =	sld [smem:$0x3FD0];
	_ =	sdelay $0x2  }
0x91: {  	s15 =	simm.s32 $0xA;
	s4 =	simm.s32 $0x10  }
0x92: {  	[smem:s4], [sflag:s15] =	dma.local [hbm:s2], $0x1  }
0x93: {  	_ =	swait.eq [sflag:s15], $0x1  }
0x94: {  	[sflag:s15] =	ssyncset.done $0x0  }
0x95: {  	[sflag:s15] =	ssyncadd.s32 $0xFFFFFFFF  }
0x96: {  	s16 =	sld [smem:$0x10];
	(tm) =	ssettm $0x1  }
0x97: {  	s17 =	sld [smem:$0x3FFB];
	_ =	sdelay $0x3  }
0x98: {  	_ =	strace s17  }
0x99: {  	s3 =	sld [smem:$0x3FFC];
	_ =	sdelay $0x3  }
0x9a: {  	_ =	strace s3  }
0x9b: {  	s3 =	sld [smem:$0x3FFD];
	_ =	sdelay $0x3  }
0x9c: {  	_ =	strace s3  }
0x9d: {  	_ =	strace $0x8FFFFFFF  }
0x9e: {  	s18 =	sld [smem:$0x3FDB];
	_ =	sdelay $0x1  }
0x9f: {  	s19 =	simm.s32 $_scs_section_size  }
0xa0: {  	s5 =	simm.s32 $_size__tile_overlayer_lowered;
	s6 =	simm.s32 $_tile_overlayer_lowered  }
0xa1: {  	s22 =	simm.s32 $0x1BFF;
	s21 =	sshll.u32 s6, $0x1;
	s3 =	sadd.s32 s19, s18  }
0xa2: {  	s7 =	simm.s32 $0x0;
	s20 =	sshll.u32 s5, $0x1;
	s5 =	sadd.s32 s21, s3  }
0xa3: {  	[timem:s7], [sflag:s22] =	dma.local [hbm:s5], s20  }
0xa4: {  	_ =	swait.ge [sflag:s22], s20  }
0xa5: {  	s4 =	ssub.s32 $0x0, s20;
	[sflag:s22] =	ssyncset.done $0x0  }
0xa6: {  	[sflag:s22] =	ssyncadd.s32 s4;
	_ =	sdelay $0x1  }
0xa7: {  	s23 =	simm.s32 $0x1B8B  }
0xa8: {  	_ =	swait.ge [sflag:s23], $0x1  }
0xa9: {  	[sflag:s23] =	ssyncset.done $0x0  }
0xaa: {  	s25 =	simm.s32 $0x1B8E;
	s24 =	sld [smem:$0x3FFE];
	[sflag:s23] =	ssyncadd.s32 $0xFFFFFFFF  }
0xab: {  	s26 =	simm.s32 $execute0_lowered;
	[smem:$0x3FD2] =	sst s25  }
0xac: {  	s5 =	sshll.u32 s26, $0x1;
	_ =	strace $0x80000046;
	[dreg:$0x1] =	wrdreg $0xFFFFFFFF  }
0xad: {  	s28 =	simm.s32 $_size_execute0_lowered;
	s3 =	sadd.s32 s3, s5;
	[dreg:$0x0] =	wrdreg $0x0  }
0xae: {  	s5 =	sshll.u32 s28, $0x1;
	[dreg:$0x2] =	wrdreg s3  }
0xaf: {  	[dreg:$0x3] =	wrdreg s5  }
0xb0: {  	[dreg:$0x4] =	wrdreg $0xC0  }
0xb1: {  	_ =	task [dreg:s7], $0x5FFFF  }
0xb2: {  	[dreg:$0x1] =	wrdreg $0xFFFFFFFF  }
0xb3: {  	[dreg:$0x0] =	wrdreg $0x60  }
0xb4: {  	[dreg:$0x2] =	wrdreg s16  }
0xb5: {  	[dreg:$0x3] =	wrdreg s24  }
0xb6: {  	[dreg:$0x4] =	wrdreg $0x9  }
0xb7: {  	_ =	task.clear_ibuf [dreg:s7], $0x5FFFF;
	_ =	strace $0x90000046  }
0xb8: {  	s29 =	simm.s32 $0x9;
	_ =	strace $0x80000048  }
0xb9: {  	_ =	swait.ge [sflag:s29], $0x1  }
0xba: {  	[sflag:s29] =	ssyncadd.s32 $0xFFFFFFFF  }
0xbb: {  	_ =	strace $0x90000048  }
0xbc: {  	_ =	sfence  }
0xbd: {  	s30 =	sld [smem:$0x0];
	_ =	sdelay $0x2  }
0xbe: {  	s31 =	sshll.u32 s1, $0xD;
	s1 =	sshrl.u32 s1, $0x2  }
0xbf: {  	s3 =	sand.u32 $0x4000, s31;
	s1 =	sadd.s32 s1, s30  }
0xc0: {  	s0 =	sor.u32 s3, s0;
	s1 =	sshll.u32 s1, $0x11  }
0xc1: {  	s0 =	sor.u32 s1, s0  }
0xc2: {  	s0 =	sadd.s32 $0x8F2B, s0  }
0xc3: {  	[sflag:s0] =	ssyncadd.remote.s32 $0x1  }
0xc4: {  	_ =	sfence.sel $0xFFFF  }
0xc5: {  	[dreg:$0x0] =	wrdreg $0xFFFFFFFF;
	(pc) =	sbr.abs _section_cstart, $3  }
0xc6: {  	[dreg:$0x1] =	wrdreg $0xFFFFFFFF  }
0xc7: {  	_ =	task.clear_ibuf [dreg:s7], $0x2FFFF;
	_ =	strace $0x9FFFFFFF  }
0xc8: {  	(tm) =	ssettm $0x7FFFFFFF  }
0xc9: {  	_ =	shalt  }
tec
execute0_lowered:
.L_overlay_start_1:
0x0: {  	(tag) =	ssettag $0x1  }
0x1: {  	s4 =	rddreg [dreg:$0x0]  }
0x2: {  	s3 =	rddreg [dreg:$0x1]  }
0x3: {  	s0 =	rddreg [dreg:$0x2];
	s5 =	srdreg.scid  }
0x4: {  	s2 =	simm.s32 $0x0;
	s1 =	stileid.u32;
	s9 =	simm.s32 $0x80  }
0x5: {  	s10 =	simm.s32 $0x1;
	s11 =	simm.s32 $0x0;
	s5 =	sand.u32 $0x1, s5  }
0x6: {  	[smem:$0x7FF] =	sst s2;
	s6 =	sshll.u32 s1, $0xB;
	s7 =	sshll.u32 s5, $0xA  }
0x7: {  	_ =	strace $0x80000047;
	s5 =	ssub.s32 $0x2, s5;
	s6 =	sor.u32 s7, s6  }
0x8: {  	s8 =	sshrl.u32 s5, $0x1;
	s7 =	sadd.s32 s6, s3;
	s3 =	sadd.s32 $0x11800, s3  }
0x9: {  	s8 =	ssub.s32 s5, s8;
	s4 =	sadd.s32 s4, s6;
	s5 =	sadd.s32 $0x9800, s7  }
0xa: {  	s6 =	smax.u32 s8, $0x1;
	s7 =	simm.s32 $0x2;
	s8 =	simm.s32 $0x2000  }
.LBB2_1:
0xb: {  	[tilespmem:s2], [sflag:$0x2] =	stream.linear.gather [hbm4b:s4+s2], $0x2000, $0x38;
	[tilespmem:$0x6000] =	vst v63  }
0xc: {  	_ =	swait.ge [sflag:s7], $0x2000  }
0xd: {  	[sflag:s7] =	ssyncset.done $0x0  }
0xe: {  	[sflag:s7] =	ssyncadd.s32 $0xFFFFE000  }
0xf: {  	[tilespmem:s8], [sflag:$0x2] =	stream.linear.gather [hbm4b:s5+s2], $0x2000, $0x38;
	[tilespmem:$0x6000] =	vst v63  }
0x10: {  	_ =	swait.ge [sflag:s7], $0x2000  }
0x11: {  	s12 =	simm.s32 $0x200;
	[sflag:s7] =	ssyncset.done $0x0  }
0x12: {  	s13 =	simm.s32 $0x0;
	s14 =	simm.s32 $0x4000;
	[sflag:s7] =	ssyncadd.s32 $0xFFFFE000  }
.LBB2_2:
0x13: {  	[tilespmem:s14], [sflag:$0x1] =	stream.indirect.gather [hbm4b:s3+s9], $0x1, s13, s9, $0xb8;
	[tilespmem:$0x6000] =	vst v63  }
0x14: {  	s13 =	smov.u32 s12;
	p0 =	sne.s32 s12, $0x7E00  }
.Ltmp0:
0x15: {  	s12 =	sadd.s32 $0x200, s12;
	(pc) =	sbr.rel @p0 .LBB2_2-.Ltmp0, $3  }
0x16: {  	_ =	sdelay $0x1  }
0x17: {  	s13 =	sshra.s32 s13, $0x2  }
0x18: {  	s14 =	sadd.s32 $0x4000, s13  }
0x19: {  	[tilespmem:s14], [sflag:$0x1] =	stream.indirect.gather [hbm4b:s3+s9], $0x1, s13, s9, $0xb8;
	[tilespmem:$0x6000] =	vst v63  }
0x1a: {  	_ =	swait.ge [sflag:s10], $0x2000  }
0x1b: {  	[sflag:s10] =	ssyncset.done $0x0  }
0x1c: {  	s12 =	simm.s32 $0x0;
	[sflag:s10] =	ssyncadd.s32 $0xFFFFE000  }
0x1d: {  	v7 =	vld [tilespmem:s12+$0x2000]  }
0x1e: {  	v11 =	vld [tilespmem:s12+$0x2010]  }
0x1f: {  	v5 =	vld [tilespmem:s12+$0x2020]  }
0x20: {  	v4 =	vld [tilespmem:s12+$0x2030]  }
0x21: {  	v3 =	vld [tilespmem:s12+$0x2040]  }
0x22: {  	v2 =	vld [tilespmem:s12+$0x2050]  }
0x23: {  	v1 =	vld [tilespmem:s12+$0x2060]  }
0x24: {  	v0 =	vld [tilespmem:s12+$0x2070]  }
0x25: {  	v12 =	vld [tilespmem:s12+$0x4000]  }
0x26: {  	v13 =	vld [tilespmem:s12+$0x4010]  }
0x27: {  	v10 =	vld [tilespmem:s12+$0x4020]  }
0x28: {  	v9 =	vld [tilespmem:s12+$0x4030]  }
0x29: {  	v8 =	vld [tilespmem:s12+$0x4040]  }
0x2a: {  	v6 =	vld [tilespmem:s12+$0x4050];
	v12 =	vadd.f32 v7, v12  }
0x2b: {  	s13 =	simm.s32 $0x200;
	v11 =	vadd.f32 v11, v13;
	v7 =	vld [tilespmem:s12+$0x4060]  }
.LBB2_4:
0x2c: {  	s14 =	sshra.s32 s13, $0x2;
	p0 =	sne.s32 s13, $0x7E00;
	[tilespmem:s12+$0x4000] =	vst v12;
	v5 =	vadd.f32 v5, v10;
	v10 =	vld [tilespmem:s12+$0x4070]  }
0x2d: {  	v12 =	vld [tilespmem:s14+$0x2000];
	[tilespmem:s12+$0x4010] =	vst v11;
	v4 =	vadd.f32 v4, v9  }
0x2e: {  	v11 =	vld [tilespmem:s14+$0x2010];
	[tilespmem:s12+$0x4020] =	vst v5;
	v3 =	vadd.f32 v3, v8  }
0x2f: {  	v5 =	vld [tilespmem:s14+$0x2020];
	[tilespmem:s12+$0x4030] =	vst v4;
	v2 =	vadd.f32 v2, v6  }
0x30: {  	v4 =	vld [tilespmem:s14+$0x2030];
	[tilespmem:s12+$0x4040] =	vst v3;
	v1 =	vadd.f32 v1, v7  }
0x31: {  	v3 =	vld [tilespmem:s14+$0x2040];
	[tilespmem:s12+$0x4050] =	vst v2;
	v0 =	vadd.f32 v0, v10  }
0x32: {  	v2 =	vld [tilespmem:s14+$0x2050];
	[tilespmem:s12+$0x4060] =	vst v1  }
0x33: {  	v1 =	vld [tilespmem:s14+$0x2060];
	[tilespmem:s12+$0x4070] =	vst v0;
	s12 =	smov.u32 s14  }
0x34: {  	v0 =	vld [tilespmem:s12+$0x2070]  }
0x35: {  	v6 =	vld [tilespmem:s12+$0x4000]  }
0x36: {  	v7 =	vld [tilespmem:s12+$0x4010]  }
.Ltmp1:
0x37: {  	v10 =	vld [tilespmem:s12+$0x4020];
	(pc) =	sbr.rel @p0 .LBB2_4-.Ltmp1, $4  }
0x38: {  	v9 =	vld [tilespmem:s12+$0x4030]  }
0x39: {  	v8 =	vld [tilespmem:s12+$0x4040]  }
0x3a: {  	v12 =	vadd.f32 v12, v6;
	v6 =	vld [tilespmem:s12+$0x4050]  }
0x3b: {  	s13 =	sadd.s32 $0x200, s13;
	v11 =	vadd.f32 v11, v7;
	v7 =	vld [tilespmem:s12+$0x4060]  }
0x3c: {  	[tilespmem:s12+$0x4000] =	vst v12;
	v5 =	vadd.f32 v5, v10;
	v63 =	vld [tilespmem:s12+$0x4070]  }
0x3d: {  	[tilespmem:s12+$0x4010] =	vst v11;
	v4 =	vadd.f32 v4, v9  }
0x3e: {  	[tilespmem:s12+$0x4020] =	vst v5;
	v3 =	vadd.f32 v3, v8  }
0x3f: {  	[tilespmem:s12+$0x4030] =	vst v4;
	v2 =	vadd.f32 v2, v6  }
0x40: {  	[tilespmem:s12+$0x4040] =	vst v3;
	v1 =	vadd.f32 v1, v7  }
0x41: {  	[tilespmem:s12+$0x4050] =	vst v2;
	v0 =	vadd.f32 v0, v63  }
0x42: {  	[tilespmem:s12+$0x4060] =	vst v1  }
0x43: {  	s13 =	simm.s32 $0x0;
	s14 =	simm.s32 $0x4000;
	[tilespmem:s12+$0x4070] =	vst v0;
	s12 =	simm.s32 $0x200  }
.LBB2_6:
0x44: {  	[hbm4b:s3+s9] =	stream.indirect.scatter [tilespmem:s14], [sflag:$0x1], $0x1, s13, s9, $0xb8;
	[tilespmem:$0x6000] =	vst v63  }
0x45: {  	s13 =	smov.u32 s12;
	p0 =	sne.s32 s12, $0x7E00  }
.Ltmp2:
0x46: {  	s12 =	sadd.s32 $0x200, s12;
	(pc) =	sbr.rel @p0 .LBB2_6-.Ltmp2, $3  }
0x47: {  	_ =	sdelay $0x1  }
0x48: {  	s13 =	sshra.s32 s13, $0x2  }
0x49: {  	s14 =	sadd.s32 $0x4000, s13  }
0x4a: {  	s11 =	sadd.s32 $0x1, s11  }
0x4b: {  	p0 =	sne.s32 s11, s6  }
.Ltmp3:
0x4c: {  	_ = 	snop;
	(pc) =	sbr.rel @p0 .LBB2_1-.Ltmp3, $4  }
0x4d: {  	[hbm4b:s3+s9] =	stream.indirect.scatter [tilespmem:s14], [sflag:$0x1], $0x1, s13, s9, $0xb8;
	[tilespmem:$0x6000] =	vst v63  }
0x4e: {  	_ =	swait.ge [sflag:s10], $0x2000  }
0x4f: {  	[sflag:s10] =	ssyncset.done $0x0  }
0x50: {  	[sflag:s10] =	ssyncadd.s32 $0xFFFFE000  }
0x51: {  	_ =	sfence.sel $0x180000  }
0x52: {  	[bflag:$0x0] =	sbarrier.arrive $0xFFFF  }
0x53: {  	p0 =	sne.s32 s1, $0x0;
	_ =	strace $0x90000047  }
0x54: {  	s0 =	sadd.s32 @!p0 $0x100000, s0;
	[bflag:$0x2] =	sbarrier.arrive $0xFFFF  }
0x55: {  	[sflag:s0] =	ssyncadd.tile.s32 @!p0 $0x1;
	_ =	shalt  }
.Lfunc_end2:
_tile_overlayer_lowered:
.L_overlay_start_2:
0x56: {  	(tag) =	ssettag $0x2  }
0x57: {  	s0 =	rddreg [dreg:$0x0];
	s2 =	stileid.u32  }
0x58: {  	s1 =	rddreg [dreg:$0x1];
	p0 =	sne.s32 s2, $0x0  }
0x59: {  	s3 =	rddreg [dreg:$0x2];
	[bflag:$0x3] =	sbarrier.arrive $0xFFFF;
	s2 =	simm.s32 @!p0 $0x1C02  }
0x5a: {  	[timem:s3], [sflag:s2] =	dma.local @!p0 [hbm:s0], s1  }
0x5b: {  	s0 =	simm.s32 @!p0 $0x2  }
0x5c: {  	_ =	swait.ge @!p0 [sflag:s0], s1  }
0x5d: {  	s1 =	ssub.s32 @!p0 $0x0, s1;
	[sflag:s0] =	ssyncset.done @!p0 $0x0  }
0x5e: {  	[sflag:s0] =	ssyncadd.s32 @!p0 s1  }
0x5f: {  	[bflag:$0x3] =	sbarrier.arrive $0xFFFF  }
0x60: {  	_ =	shalt  }

// kernel: sparse-core-data-format-call.cloned.1.call-start
scs
called_computation_lowered:
.L_overlay_start_0:
0x0: {  	s2 =	sld [smem:$0x3FD9]  }
0x1: {  	s3 =	sld [smem:$0x3FFE];
	_ =	sdelay $0x1  }
0x2: {  	s1 =	srdreg.scid  }
0x3: {  	s0 =	sand.u32 $0x1, s1  }
0x4: {  	s15 =	sshll.u32 s0, $0xA;
	s2 =	sadd.s32 s3, s2  }
0x5: {  	s2 =	sadd.s32 s2, s15  }
0x6: {  	[smem:$0x3FBF] =	sst s2  }
0x7: {  	_ = 	snop  }
0x8: {  	s2 =	sld [smem:$0x3FD0];
	_ =	sdelay $0x2  }
0x9: {  	s16 =	simm.s32 $0xA;
	s4 =	simm.s32 $0x10  }
0xa: {  	[smem:s4], [sflag:s16] =	dma.local [hbm:s2], $0x1  }
0xb: {  	_ =	swait.eq [sflag:s16], $0x1  }
0xc: {  	[sflag:s16] =	ssyncset.done $0x0  }
0xd: {  	[sflag:s16] =	ssyncadd.s32 $0xFFFFFFFF  }
0xe: {  	s17 =	sld [smem:$0x10];
	(tm) =	ssettm $0x1  }
0xf: {  	s18 =	sld [smem:$0x3FFB];
	_ =	sdelay $0x3  }
0x10: {  	_ =	strace s18  }
0x11: {  	s3 =	sld [smem:$0x3FFC];
	_ =	sdelay $0x3  }
0x12: {  	_ =	strace s3  }
0x13: {  	s3 =	sld [smem:$0x3FFD];
	_ =	sdelay $0x3  }
0x14: {  	_ =	strace s3  }
0x15: {  	_ =	strace $0x8FFFFFFF  }
0x16: {  	s19 =	sld [smem:$0x3FDB];
	_ =	sdelay $0x1  }
0x17: {  	s20 =	simm.s32 $_scs_section_size  }
0x18: {  	s5 =	simm.s32 $_size__tile_overlayer_lowered;
	s6 =	simm.s32 $_tile_overlayer_lowered  }
0x19: {  	s23 =	simm.s32 $0x1BFF;
	s22 =	sshll.u32 s6, $0x1;
	s3 =	sadd.s32 s20, s19  }
0x1a: {  	s7 =	simm.s32 $0x0;
	s21 =	sshll.u32 s5, $0x1;
	s5 =	sadd.s32 s22, s3  }
0x1b: {  	[timem:s7], [sflag:s23] =	dma.local [hbm:s5], s21  }
0x1c: {  	_ =	swait.ge [sflag:s23], s21  }
0x1d: {  	s4 =	ssub.s32 $0x0, s21;
	[sflag:s23] =	ssyncset.done $0x0  }
0x1e: {  	[sflag:s23] =	ssyncadd.s32 s4;
	_ =	sdelay $0x1  }
0x1f: {  	s24 =	simm.s32 $0x1B8B  }
0x20: {  	_ =	swait.ge [sflag:s24], $0x1  }
0x21: {  	[sflag:s24] =	ssyncset.done $0x0  }
0x22: {  	s26 =	simm.s32 $0x1B8E;
	s25 =	sld [smem:$0x3FFE];
	[sflag:s24] =	ssyncadd.s32 $0xFFFFFFFF  }
0x23: {  	s27 =	simm.s32 $execute0_lowered;
	[smem:$0x3FD2] =	sst s26  }
0x24: {  	s5 =	sshll.u32 s27, $0x1;
	_ =	strace $0x80000049;
	[dreg:$0x1] =	wrdreg $0xFFFFFFFF  }
0x25: {  	s28 =	simm.s32 $_size_execute0_lowered;
	s3 =	sadd.s32 s3, s5;
	[dreg:$0x0] =	wrdreg $0x0  }
0x26: {  	s5 =	sshll.u32 s28, $0x1;
	[dreg:$0x2] =	wrdreg s3  }
0x27: {  	[dreg:$0x3] =	wrdreg s5  }
0x28: {  	[dreg:$0x4] =	wrdreg $0xC0  }
0x29: {  	_ =	task [dreg:s7], $0x5FFFF  }
0x2a: {  	[dreg:$0x1] =	wrdreg $0xFFFFFFFF  }
0x2b: {  	[dreg:$0x0] =	wrdreg $0x60  }
0x2c: {  	[dreg:$0x2] =	wrdreg s25  }
0x2d: {  	[dreg:$0x3] =	wrdreg s17  }
0x2e: {  	[dreg:$0x4] =	wrdreg $0x9  }
0x2f: {  	_ =	task.clear_ibuf [dreg:s7], $0x5FFFF;
	_ =	strace $0x90000049  }
0x30: {  	s29 =	simm.s32 $0x9;
	_ =	strace $0x8000004B  }
0x31: {  	_ =	swait.ge [sflag:s29], $0x1  }
0x32: {  	[sflag:s29] =	ssyncadd.s32 $0xFFFFFFFF  }
0x33: {  	_ =	strace $0x9000004B  }
0x34: {  	_ =	sfence  }
0x35: {  	s30 =	sld [smem:$0x0];
	_ =	sdelay $0x2  }
0x36: {  	s31 =	sshll.u32 s1, $0xD;
	s1 =	sshrl.u32 s1, $0x2  }
0x37: {  	s3 =	sand.u32 $0x4000, s31;
	s1 =	sadd.s32 s1, s30  }
0x38: {  	s0 =	sor.u32 s3, s0;
	s1 =	sshll.u32 s1, $0x11  }
0x39: {  	s0 =	sor.u32 s1, s0  }
0x3a: {  	s0 =	sadd.s32 $0x8F2B, s0  }
0x3b: {  	[sflag:s0] =	ssyncadd.remote.s32 $0x1  }
0x3c: {  	_ =	sfence.sel $0xFFFF  }
0x3d: {  	[dreg:$0x0] =	wrdreg $0xFFFFFFFF;
	(pc) =	sbr.abs _section_cstart, $3  }
0x3e: {  	[dreg:$0x1] =	wrdreg $0xFFFFFFFF  }
0x3f: {  	_ =	task.clear_ibuf [dreg:s7], $0x2FFFF;
	_ =	strace $0x9FFFFFFF  }
0x40: {  	(tm) =	ssettm $0x7FFFFFFF  }
0x41: {  	_ =	shalt  }
tec
execute0_lowered:
.L_overlay_start_1:
0x0: {  	(tag) =	ssettag $0x1  }
0x1: {  	s0 =	stileid.u32  }
0x2: {  	s2 =	srdreg.scid;
	s7 =	rddreg [dreg:$0x0]  }
0x3: {  	s6 =	simm.s32 $0x1;
	s31 =	simm.s32 $0x2;
	s16 =	simm.s32 $0x0  }
0x4: {  	s9 =	simm.s32 $0x2000;
	s15 =	simm.s32 $0x0;
	s10 =	simm.s32 $0x0  }
0x5: {  	s11 =	simm.s32 $0x0;
	s14 =	simm.s32 $0x0;
	s1 =	sshll.u32 s0, $0x7  }
0x6: {  	s3 =	sshll.u32 s0, $0x4;
	s2 =	sshll.u32 s2, $0x8;
	s1 =	sand.u32 $0x380, s1  }
0x7: {  	s7 =	sadd.s32 $0x11800, s7;
	s2 =	sor.u32 s3, s2;
	s5 =	ssub.s32 $0x400, s1  }
0x8: {  	s3 =	rddreg [dreg:$0x1];
	s4 =	sand.u32 $0x180, s2;
	s29 =	sand.u32 $0x380, s5  }
0x9: {  	s30 =	ssub.s32 $0x18680, s4;
	s5 =	sshrl.u32 s5, $0xA;
	p0 =	sne.s32 s29, $0x0  }
.Ltmp0:
0xa: {  	s8 =	sshrl.u32 s30, $0x9;
	s6 =	simm.s32 @!p0 $0x0;
	(pc) =	sbr.rel .LBB1_1-.Ltmp0, $4  }
0xb: {  	s2 =	rddreg [dreg:$0x2];
	s8 =	sadd.s32 $0x1, s8;
	s6 =	sadd.s32 s6, s5  }
0xc: {  	_ =	strace $0x8000004A;
	s5 =	simm.s32 $0x1;
	s6 =	smul.u32 s6, s8  }
0xd: {  	s13 =	smov.u32 s1;
	s12 =	smov.u32 s4;
	[sflag:s5] =	ssyncpa.u1 $0x0  }
0xe: {  	p0 =	por $0x0, $0x0;
	[sflag:s31] =	ssyncpa.u1 $0x0;
	s8 =	sadd.s32 $0x1, s6  }
.LBB1_4:
0xf: {  	s21 =	sshra.s32 s21, $0x2;
	s27 =	sshll.u32 s10, $0xA;
	s22 =	sshll.u32 s11, $0x3  }
0x10: {  	s23 =	sshll.u32 s10, $0x7;
	s24 =	sand.u32 $0x78, s11;
	p1 =	sgt.s32 s10, $0x18620  }
0x11: {  	s25 =	sshra.s32 s10, $0x1F;
	s26 =	sshra.s32 s11, $0x1F;
	s20 =	sadd.s32 s21, s20  }
0x12: {  	v5 =	vld [tilespmem:s18+$0xFFFFFFD0];
	[tilespmem:s19+$0x2040 ss:$0x81] =	vst.msk $0xffff, v4;
	s21 =	sand.u32 $0xFFFFE000, s27;
	s22 =	sand.u32 $0xFFFFFC00, s22;
	s28 =	sand.u32 $0x380, s23  }
0x13: {  	v58 =	vld [tilespmem:s18+$0xFFFFFFE0];
	[tilespmem:s19+$0x2850 ss:$0x81] =	vst.msk $0xffff, v3;
	s23 =	smov.u32 s10;
	s30 =	sand.u32 s25, s10;
	s25 =	smov.u32 s11  }
0x14: {  	v59 =	vld [tilespmem:s18+$0xFFFFFFF0];
	[tilespmem:s19+$0x3060 ss:$0x81] =	vst.msk $0xffff, v2;
	s31 =	sand.u32 s26, s11;
	s21 =	sadd.s32 s22, s21;
	s22 =	sor.u32 s24, s28  }
0x15: {  	v60 =	vld [tilespmem:s18+$0x0];
	[tilespmem:s19+$0x0 ss:$0x81] =	vst.msk $0xffff, v1;
	s23 =	simm.s32 @!p1 $0x18620;
	p1 =	sgt.s32 s11, $0x380;
	s21 =	sshrl.u32 s21, $0xA  }
0x16: {  	v61 =	vld [tilespmem:s18+$0x10];
	[tilespmem:s20+$0x3870 ss:$0x81] =	vst.msk $0xffff, v0;
	s19 =	ssub.s32 s23, s30;
	s25 =	simm.s32 @!p1 $0x380;
	s29 =	smulhi.u32 $0x53E2D7, s21  }
0x17: {  	v62 =	vld [tilespmem:s18+$0x20];
	s23 =	ssub.s32 s25, s31;
	s26 =	sadd.s32 $0xFFFE79E0, s19;
	s19 =	ssub.s32 $0x186A0, s19;
	[tilespmem:s20+$0x810 ss:$0x81] =	vst.msk $0xffff, v5  }
0x18: {  	v63 =	vld [tilespmem:s18+$0xFFFFFFC0];
	[tilespmem:s20+$0x1020 ss:$0x81] =	vst.msk $0xffff, v58;
	p1 =	sgt.s32 s26, $0x7F;
	s28 =	sadd.s32 $0xFFFFFC80, s23;
	s24 =	sshrl.u32 s29, $0x7  }
0x19: {  	[tilespmem:s20+$0x1830 ss:$0x81] =	vst.msk $0xffff, v59;
	s23 =	ssub.s32 $0x400, s23;
	p2 =	sgt.s32 s28, $0x7F;
	s27 =	smul.u32 $0x186A0, s24  }
0x1a: {  	s30 =	sand.u32 $0x7, s11;
	[tilespmem:s20+$0x2040 ss:$0x81] =	vst.msk $0xffff, v60;
	s19 =	simm.s32 @p1 $0x0;
	s23 =	simm.s32 @p2 $0x0  }
0x1b: {  	[tilespmem:s20+$0x2850 ss:$0x81] =	vst.msk $0xffff, v61;
	s29 =	sshrl.u32 s22, $0x3;
	s19 =	smul.u32 s23, s19;
	s18 =	ssub.s32 s21, s27  }
0x1c: {  	[tilespmem:s20+$0x3060 ss:$0x81] =	vst.msk $0xffff, v62;
	s22 =	sshll.u32 s30, $0x12;
	s21 =	sadd.s32 s3, s29;
	s18 =	sshll.u32 s18, $0x7  }
0x1d: {  	[tilespmem:s20+$0x0 ss:$0x81] =	vst.msk $0xffff, v63;
	s31 =	sor.u32 $0x400, s22;
	s19 =	sand.u32 $0x3FFFFFFF, s19;
	s18 =	sadd.s32 s18, s21  }
0x1e: {  	[hbm4b:s18+s31] =	stream.strided.scatter [tilespmem:s17], [sflag:$0x2], s19, s9, s31, $0x20;
	[tilespmem:$0x10100] =	vst v63  }
.LBB1_5:
0x1f: {  	p1 =	slt.u32 s14, $0x2  }
0x20: {  	s18 =	smov.u32 s16;
	p2 =	sgt.s32 @!p1 s16, $0x18620;
	s17 =	sshra.s32 @!p1 s16, $0x1F  }
0x21: {  	p3 =	sgt.s32 @!p1 s15, $0x380;
	s19 =	sshra.s32 @!p1 s15, $0x1F;
	p2 =	por !p2, p1  }
0x22: {  	s16 =	sand.u32 @!p1 s17, s16;
	p3 =	por !p3, p1;
	s17 =	smov.u32 s15  }
0x23: {  	s15 =	sand.u32 @!p1 s19, s15;
	s18 =	simm.s32 @p2 $0x18620;
	s17 =	simm.s32 @p3 $0x380  }
0x24: {  	s16 =	ssub.s32 @!p1 s18, s16;
	s15 =	ssub.s32 @!p1 s17, s15  }
0x25: {  	s19 =	smov.u32 s13;
	s17 =	sadd.s32 @!p1 $0xFFFE79E0, s16;
	s18 =	sadd.s32 @!p1 $0xFFFFFC80, s15  }
0x26: {  	s16 =	ssub.s32 @!p1 $0x186A0, s16;
	p2 =	sgt.s32 @!p1 s17, $0x7F;
	p3 =	sgt.s32 @!p1 s18, $0x7F  }
0x27: {  	s15 =	ssub.s32 @!p1 $0x400, s15;
	p2 =	por !p2, p1;
	p3 =	por !p3, p1  }
0x28: {  	s17 =	sadd.s32 $0x200, s12;
	s16 =	simm.s32 @!p2 $0x0;
	s15 =	simm.s32 @!p3 $0x0  }
0x29: {  	p2 =	sgt.s32 s17, $0x1869F;
	s15 =	smul.u32 @!p1 s15, s16;
	s16 =	sadd.s32 $0x400, s13  }
0x2a: {  	s19 =	smov.u32 @p2 s16  }
0x2b: {  	s17 =	smov.u32 @p2 s4;
	p2 =	sgt.s32 s19, $0x3FF  }
0x2c: {  	s19 =	smov.u32 @p2 s1;
	p2 =	sne.s32 s14, s8  }
.Ltmp1:
0x2d: {  	p0 =	por !p0, !p0;
	s18 =	simm.s32 @!p1 $0x2;
	(pc) =	sbr.rel @!p2 .LBB1_6-.Ltmp1, $4  }
0x2e: {  	s16 =	smov.u32 s10;
	s10 =	smov.u32 s12;
	s15 =	sand.u32 @!p1 $0x3FFFFFFF, s15  }
0x2f: {  	s12 =	smov.u32 s17;
	_ =	swait.ge @!p1 [sflag:s18], s15;
	s20 =	ssub.s32 @!p1 $0x0, s15  }
0x30: {  	s15 =	smov.u32 s11;
	s14 =	sadd.s32 $0x1, s14;
	[sflag:s18] =	ssyncset.done @!p1 $0x0  }
0x31: {  	s11 =	smov.u32 s13;
	s13 =	smov.u32 s19;
	[sflag:s18] =	ssyncadd.s32 @!p1 s20  }
.LBB1_1:
0x32: {  	p1 =	sge.u32 s14, s6  }
0x33: {  	s17 =	sshrl.u32 @!p1 s13, $0x3  }
0x34: {  	s18 =	sshll.u32 @!p1 s12, $0x3;
	s17 =	smul.u32 @!p1 $0xC3800, s17  }
0x35: {  	s19 =	sshll.u32 @!p1 s13, $0x7;
	s18 =	sand.u32 @!p1 $0xFFFFFC00, s18  }
0x36: {  	s17 =	sadd.s32 @!p1 s17, s18;
	s18 =	sand.u32 @!p1 $0x380, s19  }
0x37: {  	s19 =	sand.u32 @!p1 $0x7F, s12;
	s17 =	sor.u32 @!p1 s18, s17  }
0x38: {  	s18 =	sor.u32 @!p1 s19, s17  }
0x39: {  	s19 =	smulhi.u32 @!p1 $0xA79C7B17, s18;
	_ =	sdelay $0x1  }
0x3a: {  	s17 =	smulhi.u32 @!p1 $0xA79C7B17, s17;
	s19 =	sshrl.u32 @!p1 s19, $0x10  }
0x3b: {  	s19 =	smul.u32 @!p1 $0x18700, s19  }
0x3c: {  	s31 =	sadd.s32 $0xFFFFFFFF, s14;
	s20 =	sxor.u32 @!p1 $0xFFFFFFFF, s14;
	s17 =	sshrl.u32 @!p1 s17, $0x10  }
0x3d: {  	s20 =	sshll.u32 @!p1 s20, $0xE;
	s17 =	sand.u32 @!p1 $0x3FF, s17;
	s18 =	ssub.s32 @!p1 s18, s19  }
0x3e: {  	s17 =	smul.u32 @!p1 $0x30E0, s17;
	s19 =	sshrl.u32 @!p1 s18, $0x3;
	s18 =	sand.u32 @!p1 $0x7, s18  }
0x3f: {  	s20 =	sand.u32 @!p1 $0x4000, s20;
	s19 =	sadd.s32 @!p1 s7, s19;
	s18 =	sshll.u32 @!p1 s18, $0x12  }
0x40: {  	s17 =	sadd.s32 @!p1 s17, s19;
	s18 =	sor.u32 @!p1 $0x400, s18;
	s19 =	simm.s32 @!p1 $0xC3800  }
0x41: {  	[tilespmem:s20], [sflag:$0x1] =	stream.strided.gather @!p1 [hbm4b:s17+s18], $0x4000, s19, s18, $0x38;
	[tilespmem:$0x10100] =	vst v63  }
0x42: {  	p1 =	sge.u32 s31, s6  }
.Ltmp2:
0x43: {  	_ = 	snop;
	(pc) =	sbr.rel @p1 .LBB1_5-.Ltmp2, $1  }
0x44: {  	_ =	sdelay $0x3  }
0x45: {  	s17 =	simm.s32 $0x1  }
0x46: {  	_ =	swait.ge [sflag:s5], $0x4000;
	s17 =	simm.s32 @!p0 $0x0  }
0x47: {  	[sflag:s5] =	ssyncset.done $0x0;
	s18 =	sshll.u32 s17, $0xE  }
0x48: {  	[sflag:s5] =	ssyncadd.s32 $0xFFFFC000;
	s18 =	sor.u32 $0x40, s18  }
0x49: {  	s17 =	smul.u32 $0x10200, s17;
	v0 =	vld [tilespmem:s18+$0x30]  }
0x4a: {  	v1 =	vld [tilespmem:s18+$0xFFFFFFD0]  }
0x4b: {  	s17 =	sshrl.u32 s17, $0x2;
	v5 =	vld [tilespmem:s18+$0xFFFFFFE0]  }
0x4c: {  	v6 =	vld [tilespmem:s18+$0xFFFFFFF0];
	s20 =	sor.u32 $0x8000, s17  }
0x4d: {  	s31 =	sand.u32 $0x1, s14;
	v4 =	vld [tilespmem:s18+$0x0];
	s19 =	sadd.s32 $0x0, s20  }
0x4e: {  	v3 =	vld [tilespmem:s18+$0x10];
	s17 =	smul.u32 $0x10200, s31;
	[tilespmem:s19+$0x3870 ss:$0x81] =	vst.msk $0xffff, v0  }
0x4f: {  	v2 =	vld [tilespmem:s18+$0x20];
	[tilespmem:s19+$0x810 ss:$0x81] =	vst.msk $0xffff, v1  }
0x50: {  	s17 =	sshrl.u32 s17, $0x2;
	v1 =	vld [tilespmem:s18+$0xFFFFFFC0];
	[tilespmem:s19+$0x1020 ss:$0x81] =	vst.msk $0xffff, v5;
	s18 =	sadd.s32 $0x80, s18  }
0x51: {  	s21 =	simm.s32 $0x4;
	s22 =	simm.s32 $0x8;
	s17 =	sor.u32 $0x8000, s17;
	[tilespmem:s19+$0x1830 ss:$0x81] =	vst.msk $0xffff, v6;
	v0 =	vld [tilespmem:s18+$0x30]  }
.LBB1_3:
0x52: {  	p1 =	sne.s32 s22, $0x1FC;
	v5 =	vld [tilespmem:s18+$0xFFFFFFD0];
	[tilespmem:s19+$0x2040 ss:$0x81] =	vst.msk $0xffff, v4  }
0x53: {  	v6 =	vld [tilespmem:s18+$0xFFFFFFE0];
	[tilespmem:s19+$0x2850 ss:$0x81] =	vst.msk $0xffff, v3  }
0x54: {  	s23 =	sshra.s32 s21, $0x2;
	s21 =	smov.u32 s22;
	v7 =	vld [tilespmem:s18+$0xFFFFFFF0];
	[tilespmem:s19+$0x3060 ss:$0x81] =	vst.msk $0xffff, v2  }
.Ltmp3:
0x55: {  	v4 =	vld [tilespmem:s18+$0x0];
	[tilespmem:s19+$0x0 ss:$0x81] =	vst.msk $0xffff, v1;
	s19 =	sadd.s32 s23, s20;
	(pc) =	sbr.rel @p1 .LBB1_3-.Ltmp3, $4  }
0x56: {  	v3 =	vld [tilespmem:s18+$0x10];
	[tilespmem:s19+$0x3870 ss:$0x81] =	vst.msk $0xffff, v0  }
0x57: {  	[tilespmem:s19+$0x810 ss:$0x81] =	vst.msk $0xffff, v5;
	v2 =	vld [tilespmem:s18+$0x20]  }
0x58: {  	v1 =	vld [tilespmem:s18+$0xFFFFFFC0];
	[tilespmem:s19+$0x1020 ss:$0x81] =	vst.msk $0xffff, v6;
	s18 =	sadd.s32 $0x80, s18  }
0x59: {  	s22 =	sadd.s32 $0x4, s22;
	v0 =	vld [tilespmem:s18+$0x30];
	[tilespmem:s19+$0x1830 ss:$0x81] =	vst.msk $0xffff, v7  }
.Ltmp4:
0x5a: {  	_ = 	snop;
	(pc) =	sbr.rel .LBB1_4-.Ltmp4, $1  }
0x5b: {  	_ =	sdelay $0x3  }
.LBB1_6:
0x5c: {  	_ =	sfence.sel $0x180000  }
0x5d: {  	s1 =	simm.s32 $0x1;
	[bflag:$0x0] =	sbarrier.arrive $0xFFFF  }
0x5e: {  	s31 =	simm.s32 $0x2;
	[sflag:s1] =	ssyncpa.u1 $0x1  }
0x5f: {  	[sflag:s31] =	ssyncpa.u1 $0x1  }
0x60: {  	p0 =	sne.s32 s0, $0x0;
	_ =	strace $0x9000004A  }
0x61: {  	s0 =	sadd.s32 @!p0 $0x100000, s2;
	[bflag:$0x2] =	sbarrier.arrive $0xFFFF  }
0x62: {  	[sflag:s0] =	ssyncadd.tile.s32 @!p0 $0x1;
	_ =	shalt  }
.Lfunc_end1:
_tile_overlayer_lowered:
.L_overlay_start_2:
0x63: {  	(tag) =	ssettag $0x2  }
0x64: {  	s0 =	rddreg [dreg:$0x0];
	s2 =	stileid.u32  }
0x65: {  	s1 =	rddreg [dreg:$0x1];
	p0 =	sne.s32 s2, $0x0  }
0x66: {  	s3 =	rddreg [dreg:$0x2];
	[bflag:$0x3] =	sbarrier.arrive $0xFFFF;
	s2 =	simm.s32 @!p0 $0x1C01  }
0x67: {  	[timem:s3], [sflag:s2] =	dma.local @!p0 [hbm:s0], s1  }
0x68: {  	s0 =	simm.s32 @!p0 $0x1  }
0x69: {  	_ =	swait.ge @!p0 [sflag:s0], s1  }
0x6a: {  	s1 =	ssub.s32 @!p0 $0x0, s1;
	[sflag:s0] =	ssyncset.done @!p0 $0x0  }
0x6b: {  	[sflag:s0] =	ssyncadd.s32 @!p0 s1  }
0x6c: {  	[bflag:$0x3] =	sbarrier.arrive $0xFFFF  }
0x6d: {  	_ =	shalt  }

</sc_bundles>
